<compile_context>
chip_gen: v7x
topology: tpu7x:2x2x1
jax: 0.10.2.dev20260603
libtpu: 0.0.44.dev20260713+nightly
codegen_flags: <defaults>
</compile_context>

<pallas_src>
import functools

import jax
import jax.numpy as jnp
from jax import lax
from jax.experimental import pallas as pl
from jax.experimental.pallas import tpu as pltpu
from jax.experimental.pallas import tpu_sc as plsc

KNN_K = 8
N1 = 8192
N2 = 8192
CF = 64
BQ = 256
GRID = N2 // BQ
TW = 128
IDX_MASK = 8191
NB = 512
INT_MAX = 2**31 - 1

SC_NC = 2
SC_NS = 16
SC_NW = SC_NC * SC_NS
SC_ROWS = KNN_K * N2
SC_PER_W = SC_ROWS // SC_NW
SC_CH = 128
SC_NCH = SC_PER_W // SC_CH


def _knn_body(qa_ref, c1x_ref, idx_ref):
    qs = -2.0 * qa_ref[...]
    c1x = c1x_ref[...]
    d2s = jnp.dot(qs, c1x, preferred_element_type=jnp.float32)
    key = lax.bitcast_convert_type(d2s, jnp.int32)
    col = lax.broadcasted_iota(jnp.int32, (BQ, N1), 1)
    packed = lax.bitcast_convert_type(
        jnp.bitwise_or(jnp.bitwise_and(key, ~IDX_MASK), col), jnp.float32)
    fold = packed[:, 0:NB]
    for t in range(1, N1 // NB):
        fold = jnp.minimum(fold, packed[:, t * NB:(t + 1) * NB])
    idxs = []
    m = jnp.min(fold, axis=1, keepdims=True)
    for k in range(KNN_K):
        idxs.append(jnp.bitwise_and(
            lax.bitcast_convert_type(m, jnp.int32), IDX_MASK))
        if k + 1 < KNN_K:
            fold = jnp.where(fold == m, jnp.inf, fold)
            m = jnp.min(fold, axis=1, keepdims=True)
    idx_ref[...] = jnp.concatenate(idxs, axis=1)


def _knn_topk(qa, c1x):
    return pl.pallas_call(
        _knn_body,
        grid=(GRID,),
        in_specs=[
            pl.BlockSpec((BQ, 16), lambda i: (i, 0)),
            pl.BlockSpec((16, N1), lambda i: (0, 0)),
        ],
        out_specs=pl.BlockSpec((BQ, KNN_K), lambda i: (i, 0)),
        out_shape=jax.ShapeDtypeStruct((N2, KNN_K), jnp.int32),
    )(qa, c1x)


def _sc_gather_body(table_hbm, idx_hbm, out_hbm, idx_v, buf0, buf1, sem0, sem1):
    wid = lax.axis_index("s") * SC_NC + lax.axis_index("c")
    base = wid * SC_PER_W
    pltpu.sync_copy(idx_hbm.at[pl.ds(base, SC_PER_W)], idx_v)
    bufs = (buf0, buf1)
    sems = (sem0, sem1)

    def start(c):
        return pltpu.async_copy(
            table_hbm.at[idx_v.at[pl.ds(c * SC_CH, SC_CH)]],
            bufs[c % 2], sems[c % 2])

    cps = [start(0), None]
    for c in range(SC_NCH):
        if c + 1 < SC_NCH:
            cps[(c + 1) % 2] = start(c + 1)
        cps[c % 2].wait()
        pltpu.sync_copy(bufs[c % 2], out_hbm.at[pl.ds(base + c * SC_CH, SC_CH)])


def _sc_gather(table, idx_flat):
    mesh = plsc.VectorSubcoreMesh(core_axis_name="c", subcore_axis_name="s")
    k = functools.partial(
        pl.kernel,
        mesh=mesh,
        out_type=jax.ShapeDtypeStruct((SC_ROWS, TW), jnp.float32),
        scratch_types=[
            pltpu.VMEM((SC_PER_W,), jnp.int32),
            pltpu.VMEM((SC_CH, TW), jnp.float32),
            pltpu.VMEM((SC_CH, TW), jnp.float32),
            pltpu.SemaphoreType.DMA,
            pltpu.SemaphoreType.DMA,
        ],
    )(_sc_gather_body)
    return k(table, idx_flat)


def _mlp_body(g_ref, qp_ref, f2_ref, w1x_ref, w1f_ref, w1c_ref, b1_ref,
              w2_ref, b2_ref, w3t_ref, b3_ref, w4_ref, b4_ref, w5_ref, b5_ref,
              pred_ref, resid_ref, l_scr, m_s, s_s):
    p = pl.program_id(0)
    i = pl.program_id(1)
    row0 = pl.multiple_of(i * BQ, BQ)

    @pl.when(p == 0)
    def _phase_logits():
        qp = qp_ref[...]
        gall = jnp.concatenate([g_ref[k] for k in range(KNN_K)], axis=0)
        qall = jnp.concatenate([qp] * KNN_K, axis=0)
        gx = gall[:, CF:CF + 8] - qall
        dist = jnp.sqrt(jnp.sum(gx * gx, axis=1, keepdims=True))
        iv = 1.0 / jnp.maximum(dist, 1e-10)
        normsum = jnp.zeros((BQ, 1), jnp.float32)
        for k in range(KNN_K):
            normsum = normsum + iv[k * BQ:(k + 1) * BQ]
        rnorm = 1.0 / normsum
        cw = iv * jnp.concatenate([rnorm] * KNN_K, axis=0)

        nf = gall[:, :CF]
        h1 = (jnp.dot(gx, w1x_ref[...], preferred_element_type=jnp.float32)
              + jnp.dot(nf, w1f_ref[...], preferred_element_type=jnp.float32)
              + cw * w1c_ref[...] + b1_ref[...])
        h1 = jnp.maximum(h1, 0.0)
        h2 = jnp.dot(h1, w2_ref[...], preferred_element_type=jnp.float32) + b2_ref[...]
        h2 = jnp.maximum(h2, 0.0)
        lg = jnp.sum(h2 * w3t_ref[...], axis=1, keepdims=True) + b3_ref[...]
        lblk = jnp.concatenate(
            [lg[k * BQ:(k + 1) * BQ] for k in range(KNN_K)], axis=1)
        l_scr[pl.ds(row0, BQ), :] = lblk

        @pl.when(i == 0)
        def _():
            m_s[...] = jnp.full((1, KNN_K), -jnp.inf, jnp.float32)
            s_s[...] = jnp.zeros((1, KNN_K), jnp.float32)

        m_blk = jnp.max(lblk, axis=0, keepdims=True)
        m_old = m_s[...]
        m_new = jnp.maximum(m_old, m_blk)
        s_s[...] = (s_s[...] * jnp.exp(m_old - m_new)
                    + jnp.sum(jnp.exp(lblk - m_new), axis=0, keepdims=True))
        m_s[...] = m_new

    @pl.when(p == 1)
    def _phase_aggregate():
        w = jnp.exp(l_scr[pl.ds(row0, BQ), :] - m_s[...]) / s_s[...]
        interp = jnp.zeros((BQ, CF), jnp.float32)
        for k in range(KNN_K):
            interp = interp + w[:, k:k + 1] * g_ref[k][:, :CF]
        h = jnp.dot(interp, w4_ref[...], preferred_element_type=jnp.float32) + b4_ref[...]
        h = jnp.maximum(h, 0.0)
        pred = jnp.dot(h, w5_ref[...], preferred_element_type=jnp.float32) + b5_ref[...]
        pred_ref[...] = pred
        resid_ref[...] = f2_ref[...] - pred


def _mlp_pipeline(g, coords2p, feats2, w1x, w1f, w1c, b1, w2, b2, w3t, b3,
                  w4, b4, w5, b5):
    const = lambda p, i: (0, 0)
    return pl.pallas_call(
        _mlp_body,
        grid=(2, GRID),
        in_specs=[
            pl.BlockSpec((KNN_K, BQ, TW), lambda p, i: (0, i, 0)),
            pl.BlockSpec((BQ, 8), lambda p, i: (i, 0)),
            pl.BlockSpec((BQ, CF), lambda p, i: (i, 0)),
            pl.BlockSpec((8, 128), const),
            pl.BlockSpec((CF, 128), const),
            pl.BlockSpec((1, 128), const),
            pl.BlockSpec((1, 128), const),
            pl.BlockSpec((128, CF), const),
            pl.BlockSpec((1, CF), const),
            pl.BlockSpec((1, CF), const),
            pl.BlockSpec((1, 1), const),
            pl.BlockSpec((CF, 256), const),
            pl.BlockSpec((1, 256), const),
            pl.BlockSpec((256, CF), const),
            pl.BlockSpec((1, CF), const),
        ],
        out_specs=[
            pl.BlockSpec((BQ, CF), lambda p, i: (i, 0)),
            pl.BlockSpec((BQ, CF), lambda p, i: (i, 0)),
        ],
        out_shape=[
            jax.ShapeDtypeStruct((N2, CF), jnp.float32),
            jax.ShapeDtypeStruct((N2, CF), jnp.float32),
        ],
        scratch_shapes=[
            pltpu.VMEM((N2, KNN_K), jnp.float32),
            pltpu.VMEM((1, KNN_K), jnp.float32),
            pltpu.VMEM((1, KNN_K), jnp.float32),
        ],
    )(g, coords2p, feats2, w1x, w1f, w1c, b1, w2, b2, w3t, b3, w4, b4, w5, b5)


def kernel(coords1, feats1, coords2, feats2,
           W1, b1, W2, b2, W3, b3, W4, b4, W5, b5):
    coords2p = jnp.pad(coords2, ((0, 0), (0, 5)))
    qa = jnp.concatenate(
        [coords2, jnp.full((N2, 1), -0.5, jnp.float32),
         jnp.zeros((N2, 12), jnp.float32)], axis=1)
    r2c = jnp.sum(coords1 * coords1, axis=1, keepdims=True) + 65536.0
    c1x = jnp.concatenate(
        [coords1, r2c, jnp.zeros((N1, 12), jnp.float32)], axis=1).T

    knn = _knn_topk(qa, c1x)

    table = jnp.concatenate(
        [feats1, coords1, jnp.zeros((N1, TW - CF - 3), jnp.float32)], axis=1)
    idx_flat = knn.T.reshape(-1)
    g = _sc_gather(table, idx_flat).reshape(KNN_K, N2, TW)

    w1x = jnp.pad(W1[0:3], ((0, 5), (0, 0)))
    w1f = W1[3:67]
    w1c = W1[67:68]
    pred, resid = _mlp_pipeline(
        g, coords2p, feats2, w1x, w1f, w1c, b1.reshape(1, -1),
        W2, b2.reshape(1, -1), W3.reshape(1, -1), b3.reshape(1, 1),
        W4, b4.reshape(1, -1), W5, b5.reshape(1, -1))
    return pred, resid

# --- scband reference (transcript-rebuilt; emitter-appended) ---
"""Pipeline reference for scband-point-cloud-feature-predictor-6047313953093 (READ-ONLY COPY).

The authoritative reference and input builder live on the scoring server;
editing this copy changes nothing except your own understanding.
"""

import jax, jax.numpy as jnp
import numpy as np

K = 8
N1, N2, CF = 8192, 8192, 64


def _lin(k, fi, fo):
    s = 1.0 / np.sqrt(fi)
    kw, kb = jax.random.split(k)
    W = jax.random.uniform(kw, (fi, fo), minval=-s, maxval=s, dtype=jnp.float32)
    b = jax.random.uniform(kb, (fo,), minval=-s, maxval=s, dtype=jnp.float32)
    return W, b


def setup_inputs(seed: int = 0) -> dict:
    key = jax.random.key(seed)
    ks = jax.random.split(key, 10)
    coords1 = jax.random.uniform(ks[0], (N1, 3), dtype=jnp.float32) * 100.0
    coords2 = jax.random.uniform(ks[1], (N2, 3), dtype=jnp.float32) * 100.0
    feats1 = jax.random.normal(ks[2], (N1, CF), dtype=jnp.float32)
    feats2 = jax.random.normal(ks[3], (N2, CF), dtype=jnp.float32)
    W1, b1 = _lin(ks[4], 68, 128)
    W2, b2 = _lin(ks[5], 128, 64)
    W3, b3 = _lin(ks[6], 64, 1)
    W4, b4 = _lin(ks[7], 64, 256)
    W5, b5 = _lin(ks[8], 256, 64)
    return {
        'coords1': coords1, 'feats1': feats1,
        'coords2': coords2, 'feats2': feats2,
        'W1': W1, 'b1': b1, 'W2': W2, 'b2': b2, 'W3': W3, 'b3': b3,
        'W4': W4, 'b4': b4, 'W5': W5, 'b5': b5,
    }


def reference(coords1, feats1, coords2, feats2,
              W1, b1, W2, b2, W3, b3, W4, b4, W5, b5):
    # Brute-force KNN: for each point in coords2, K nearest in coords1
    d2 = (jnp.sum(coords2 ** 2, axis=1)[:, None]
          + jnp.sum(coords1 ** 2, axis=1)[None, :]
          - 2.0 * coords2 @ coords1.T)
    _, knn_idx = jax.lax.top_k(-d2, K)  # (N2, K)

    grouped_xyz_norm = coords1[knn_idx] - coords2[:, None, :]  # (N2, K, 3)
    dist = jnp.clip(jnp.linalg.norm(grouped_xyz_norm, axis=2), 1e-10, None)  # (N2, K)
    norm = jnp.sum(1.0 / dist, axis=1, keepdims=True)  # (N2, 1)
    coords_weight = (1.0 / dist / norm)[..., None]  # (N2, K, 1)

    neighbor_feats = feats1[knn_idx]  # (N2, K, 64)
    fea_agg = jnp.concatenate([grouped_xyz_norm, neighbor_feats, coords_weight], axis=2)  # (N2, K, 68)

    h = jax.nn.relu(fea_agg @ W1 + b1)
    h = jax.nn.relu(h @ W2 + b2)
    logits = h @ W3 + b3  # (N2, K, 1)
    # torch applies nn.Softmax(dim=1) to a (1, N2, K, 1) tensor -> softmax over N2,
    # which is axis 0 here (batch dim dropped).
    weights = jax.nn.softmax(logits, axis=0)

    interpolated_feats = jnp.sum(weights * neighbor_feats, axis=1)  # (N2, 64)
    h2 = jax.nn.relu(interpolated_feats @ W4 + b4)
    predicted_feats = h2 @ W5 + b5  # (N2, 64)
    residual = feats2 - predicted_feats
    return predicted_feats, residual

if __name__ == "__main__":
    import jax
    _d = setup_inputs()
    print(jax.jit(kernel)(*tuple(_d.values())))

</pallas_src>

<mosaic_0001>
#map = affine_map<(d0, d1) -> (0, 0)>
#map1 = affine_map<(d0, d1) -> (0)>
module attributes {stable_mosaic.version = 14 : i64} {
  func.func @_sc_gather_body(%arg0: i32, %arg1: i32, %arg2: memref<8192x128xf32, #tpu.memory_space<hbm>>, %arg3: memref<65536xi32, #tpu.memory_space<hbm>>, %arg4: memref<65536x128xf32, #tpu.memory_space<hbm>>, %arg5: memref<2048xi32, #tpu.memory_space<vmem>>, %arg6: memref<128x128xf32, #tpu.memory_space<vmem>>, %arg7: memref<128x128xf32, #tpu.memory_space<vmem>>, %arg8: memref<!tpu.dma_semaphore, #tpu.memory_space<semaphore_mem>>, %arg9: memref<!tpu.dma_semaphore, #tpu.memory_space<semaphore_mem>>) attributes {dimension_semantics = [#tpu.dimension_semantics<core_parallel>, #tpu.dimension_semantics<subcore_parallel>], iteration_bounds = array<i64: 2, 16>, scalar_prefetch = 0 : i64, scratch_operands = 5 : i64, tpu.core_type = #tpu.core_type<sc_vector_subcore>, window_params = [{transform_indices = #map}, {transform_indices = #map1}, {transform_indices = #map}]} {
    %mul3A = arith.constant 2 : i32
    %mul3A_0 = arith.muli %arg1, %mul3A : i32
    %add3A = arith.addi %mul3A_0, %arg0 : i32
    %mul3A_1 = arith.constant 2048 : i32
    %mul3A_2 = arith.muli %add3A, %mul3A_1 : i32
    "tpu.region"() ({
      %run_scoped3A = tpu.sem_alloc : memref<!tpu.dma_semaphore, #tpu.memory_space<semaphore_mem>>
      %dma_start3A_193 = tpu.memref_slice %arg3[%mul3A_2] : memref<65536xi32, #tpu.memory_space<hbm>> -> memref<2048xi32, #tpu.memory_space<hbm>>
      %dma_start3A_194 = tpu.memref_slice %arg3[%mul3A_2] : memref<65536xi32, #tpu.memory_space<hbm>> -> memref<2048xi32, #tpu.memory_space<hbm>>
      tpu.enqueue_dma source(%dma_start3A_194 : memref<2048xi32, #tpu.memory_space<hbm>>) target(%arg5 : memref<2048xi32, #tpu.memory_space<vmem>>) target_semaphore(%run_scoped3A : memref<!tpu.dma_semaphore, #tpu.memory_space<semaphore_mem>>)
      %dma_wait3A_195 = tpu.memref_slice %arg3[%mul3A_2] : memref<65536xi32, #tpu.memory_space<hbm>> -> memref<2048xi32, #tpu.memory_space<hbm>>
      %dma_wait3A_196 = tpu.memref_slice %arg3[%mul3A_2] : memref<65536xi32, #tpu.memory_space<hbm>> -> memref<2048xi32, #tpu.memory_space<hbm>>
      tpu.wait_dma2 semaphore(%run_scoped3A : memref<!tpu.dma_semaphore, #tpu.memory_space<semaphore_mem>>) src(%dma_wait3A_196 : memref<2048xi32, #tpu.memory_space<hbm>>) dst(%arg5 : memref<2048xi32, #tpu.memory_space<vmem>>)
      tpu.yield
    }) : () -> ()
    %dma_start3A = arith.constant 0 : i32
    %dma_start3A_3 = tpu.memref_slice %arg5[%dma_start3A] : memref<2048xi32, #tpu.memory_space<vmem>> -> memref<128xi32, #tpu.memory_space<vmem>>
    %dma_start3A_4 = arith.constant 0 : i32
    %dma_start3A_5 = arith.constant 0 : i32
    %dma_start3A_6 = tpu.memref_slice %arg2[%dma_start3A_4, %dma_start3A_5] : memref<8192x128xf32, #tpu.memory_space<hbm>> -> memref<8192x128xf32, #tpu.memory_space<hbm>>
    tpu.enqueue_indirect_dma source(%dma_start3A_6 : memref<8192x128xf32, #tpu.memory_space<hbm>>) target(%arg6 : memref<128x128xf32, #tpu.memory_space<vmem>>) offsets(%dma_start3A_3 : memref<128xi32, #tpu.memory_space<vmem>>) semaphore(%arg8 : memref<!tpu.dma_semaphore, #tpu.memory_space<semaphore_mem>>)
    %dma_start3A_7 = arith.constant 128 : i32
    %dma_start3A_8 = tpu.memref_slice %arg5[%dma_start3A_7] : memref<2048xi32, #tpu.memory_space<vmem>> -> memref<128xi32, #tpu.memory_space<vmem>>
    %dma_start3A_9 = arith.constant 0 : i32
    %dma_start3A_10 = arith.constant 0 : i32
    %dma_start3A_11 = tpu.memref_slice %arg2[%dma_start3A_9, %dma_start3A_10] : memref<8192x128xf32, #tpu.memory_space<hbm>> -> memref<8192x128xf32, #tpu.memory_space<hbm>>
    tpu.enqueue_indirect_dma source(%dma_start3A_11 : memref<8192x128xf32, #tpu.memory_space<hbm>>) target(%arg7 : memref<128x128xf32, #tpu.memory_space<vmem>>) offsets(%dma_start3A_8 : memref<128xi32, #tpu.memory_space<vmem>>) semaphore(%arg9 : memref<!tpu.dma_semaphore, #tpu.memory_space<semaphore_mem>>)
    %dma_wait3A = arith.constant 0 : i32
    %dma_wait3A_12 = tpu.memref_slice %arg5[%dma_wait3A] : memref<2048xi32, #tpu.memory_space<vmem>> -> memref<128xi32, #tpu.memory_space<vmem>>
    %dma_wait3A_13 = arith.constant 0 : i32
    %dma_wait3A_14 = arith.constant 0 : i32
    %dma_wait3A_15 = tpu.memref_slice %arg2[%dma_wait3A_13, %dma_wait3A_14] : memref<8192x128xf32, #tpu.memory_space<hbm>> -> memref<8192x128xf32, #tpu.memory_space<hbm>>
    tpu.wait_indirect_dma semaphore(%arg8 : memref<!tpu.dma_semaphore, #tpu.memory_space<semaphore_mem>>) src(%dma_wait3A_15 : memref<8192x128xf32, #tpu.memory_space<hbm>>) dst(%arg6 : memref<128x128xf32, #tpu.memory_space<vmem>>)
    %add3A_16 = arith.constant 0 : i32
    %add3A_17 = arith.addi %mul3A_2, %add3A_16 : i32
    "tpu.region"() ({
      %run_scoped3A = tpu.sem_alloc : memref<!tpu.dma_semaphore, #tpu.memory_space<semaphore_mem>>
      %dma_start3A_193 = arith.constant 0 : i32
      %dma_start3A_194 = tpu.memref_slice %arg4[%add3A_17, %dma_start3A_193] : memref<65536x128xf32, #tpu.memory_space<hbm>> -> memref<128x128xf32, #tpu.memory_space<hbm>>
      %dma_start3A_195 = arith.constant 0 : i32
      %dma_start3A_196 = tpu.memref_slice %arg4[%add3A_17, %dma_start3A_195] : memref<65536x128xf32, #tpu.memory_space<hbm>> -> memref<128x128xf32, #tpu.memory_space<hbm>>
      tpu.enqueue_dma source(%arg6 : memref<128x128xf32, #tpu.memory_space<vmem>>) target(%dma_start3A_196 : memref<128x128xf32, #tpu.memory_space<hbm>>) target_semaphore(%run_scoped3A : memref<!tpu.dma_semaphore, #tpu.memory_space<semaphore_mem>>)
      %dma_wait3A_197 = arith.constant 0 : i32
      %dma_wait3A_198 = tpu.memref_slice %arg4[%add3A_17, %dma_wait3A_197] : memref<65536x128xf32, #tpu.memory_space<hbm>> -> memref<128x128xf32, #tpu.memory_space<hbm>>
      %dma_wait3A_199 = arith.constant 0 : i32
      %dma_wait3A_200 = tpu.memref_slice %arg4[%add3A_17, %dma_wait3A_199] : memref<65536x128xf32, #tpu.memory_space<hbm>> -> memref<128x128xf32, #tpu.memory_space<hbm>>
      tpu.wait_dma2 semaphore(%run_scoped3A : memref<!tpu.dma_semaphore, #tpu.memory_space<semaphore_mem>>) src(%arg6 : memref<128x128xf32, #tpu.memory_space<vmem>>) dst(%dma_wait3A_200 : memref<128x128xf32, #tpu.memory_space<hbm>>)
      tpu.yield
    }) : () -> ()
    %dma_start3A_18 = arith.constant 256 : i32
    %dma_start3A_19 = tpu.memref_slice %arg5[%dma_start3A_18] : memref<2048xi32, #tpu.memory_space<vmem>> -> memref<128xi32, #tpu.memory_space<vmem>>
    %dma_start3A_20 = arith.constant 0 : i32
    %dma_start3A_21 = arith.constant 0 : i32
    %dma_start3A_22 = tpu.memref_slice %arg2[%dma_start3A_20, %dma_start3A_21] : memref<8192x128xf32, #tpu.memory_space<hbm>> -> memref<8192x128xf32, #tpu.memory_space<hbm>>
    tpu.enqueue_indirect_dma source(%dma_start3A_22 : memref<8192x128xf32, #tpu.memory_space<hbm>>) target(%arg6 : memref<128x128xf32, #tpu.memory_space<vmem>>) offsets(%dma_start3A_19 : memref<128xi32, #tpu.memory_space<vmem>>) semaphore(%arg8 : memref<!tpu.dma_semaphore, #tpu.memory_space<semaphore_mem>>)
    %dma_wait3A_23 = arith.constant 128 : i32
    %dma_wait3A_24 = tpu.memref_slice %arg5[%dma_wait3A_23] : memref<2048xi32, #tpu.memory_space<vmem>> -> memref<128xi32, #tpu.memory_space<vmem>>
    %dma_wait3A_25 = arith.constant 0 : i32
    %dma_wait3A_26 = arith.constant 0 : i32
    %dma_wait3A_27 = tpu.memref_slice %arg2[%dma_wait3A_25, %dma_wait3A_26] : memref<8192x128xf32, #tpu.memory_space<hbm>> -> memref<8192x128xf32, #tpu.memory_space<hbm>>
    tpu.wait_indirect_dma semaphore(%arg9 : memref<!tpu.dma_semaphore, #tpu.memory_space<semaphore_mem>>) src(%dma_wait3A_27 : memref<8192x128xf32, #tpu.memory_space<hbm>>) dst(%arg7 : memref<128x128xf32, #tpu.memory_space<vmem>>)
    %add3A_28 = arith.constant 128 : i32
    %add3A_29 = arith.addi %mul3A_2, %add3A_28 : i32
    "tpu.region"() ({
      %run_scoped3A = tpu.sem_alloc : memref<!tpu.dma_semaphore, #tpu.memory_space<semaphore_mem>>
      %dma_start3A_193 = arith.constant 0 : i32
      %dma_start3A_194 = tpu.memref_slice %arg4[%add3A_29, %dma_start3A_193] : memref<65536x128xf32, #tpu.memory_space<hbm>> -> memref<128x128xf32, #tpu.memory_space<hbm>>
      %dma_start3A_195 = arith.constant 0 : i32
      %dma_start3A_196 = tpu.memref_slice %arg4[%add3A_29, %dma_start3A_195] : memref<65536x128xf32, #tpu.memory_space<hbm>> -> memref<128x128xf32, #tpu.memory_space<hbm>>
      tpu.enqueue_dma source(%arg7 : memref<128x128xf32, #tpu.memory_space<vmem>>) target(%dma_start3A_196 : memref<128x128xf32, #tpu.memory_space<hbm>>) target_semaphore(%run_scoped3A : memref<!tpu.dma_semaphore, #tpu.memory_space<semaphore_mem>>)
      %dma_wait3A_197 = arith.constant 0 : i32
      %dma_wait3A_198 = tpu.memref_slice %arg4[%add3A_29, %dma_wait3A_197] : memref<65536x128xf32, #tpu.memory_space<hbm>> -> memref<128x128xf32, #tpu.memory_space<hbm>>
      %dma_wait3A_199 = arith.constant 0 : i32
      %dma_wait3A_200 = tpu.memref_slice %arg4[%add3A_29, %dma_wait3A_199] : memref<65536x128xf32, #tpu.memory_space<hbm>> -> memref<128x128xf32, #tpu.memory_space<hbm>>
      tpu.wait_dma2 semaphore(%run_scoped3A : memref<!tpu.dma_semaphore, #tpu.memory_space<semaphore_mem>>) src(%arg7 : memref<128x128xf32, #tpu.memory_space<vmem>>) dst(%dma_wait3A_200 : memref<128x128xf32, #tpu.memory_space<hbm>>)
      tpu.yield
    }) : () -> ()
    %dma_start3A_30 = arith.constant 384 : i32
    %dma_start3A_31 = tpu.memref_slice %arg5[%dma_start3A_30] : memref<2048xi32, #tpu.memory_space<vmem>> -> memref<128xi32, #tpu.memory_space<vmem>>
    %dma_start3A_32 = arith.constant 0 : i32
    %dma_start3A_33 = arith.constant 0 : i32
    %dma_start3A_34 = tpu.memref_slice %arg2[%dma_start3A_32, %dma_start3A_33] : memref<8192x128xf32, #tpu.memory_space<hbm>> -> memref<8192x128xf32, #tpu.memory_space<hbm>>
    tpu.enqueue_indirect_dma source(%dma_start3A_34 : memref<8192x128xf32, #tpu.memory_space<hbm>>) target(%arg7 : memref<128x128xf32, #tpu.memory_space<vmem>>) offsets(%dma_start3A_31 : memref<128xi32, #tpu.memory_space<vmem>>) semaphore(%arg9 : memref<!tpu.dma_semaphore, #tpu.memory_space<semaphore_mem>>)
    %dma_wait3A_35 = arith.constant 256 : i32
    %dma_wait3A_36 = tpu.memref_slice %arg5[%dma_wait3A_35] : memref<2048xi32, #tpu.memory_space<vmem>> -> memref<128xi32, #tpu.memory_space<vmem>>
    %dma_wait3A_37 = arith.constant 0 : i32
    %dma_wait3A_38 = arith.constant 0 : i32
    %dma_wait3A_39 = tpu.memref_slice %arg2[%dma_wait3A_37, %dma_wait3A_38] : memref<8192x128xf32, #tpu.memory_space<hbm>> -> memref<8192x128xf32, #tpu.memory_space<hbm>>
    tpu.wait_indirect_dma semaphore(%arg8 : memref<!tpu.dma_semaphore, #tpu.memory_space<semaphore_mem>>) src(%dma_wait3A_39 : memref<8192x128xf32, #tpu.memory_space<hbm>>) dst(%arg6 : memref<128x128xf32, #tpu.memory_space<vmem>>)
    %add3A_40 = arith.constant 256 : i32
    %add3A_41 = arith.addi %mul3A_2, %add3A_40 : i32
    "tpu.region"() ({
      %run_scoped3A = tpu.sem_alloc : memref<!tpu.dma_semaphore, #tpu.memory_space<semaphore_mem>>
      %dma_start3A_193 = arith.constant 0 : i32
      %dma_start3A_194 = tpu.memref_slice %arg4[%add3A_41, %dma_start3A_193] : memref<65536x128xf32, #tpu.memory_space<hbm>> -> memref<128x128xf32, #tpu.memory_space<hbm>>
      %dma_start3A_195 = arith.constant 0 : i32
      %dma_start3A_196 = tpu.memref_slice %arg4[%add3A_41, %dma_start3A_195] : memref<65536x128xf32, #tpu.memory_space<hbm>> -> memref<128x128xf32, #tpu.memory_space<hbm>>
      tpu.enqueue_dma source(%arg6 : memref<128x128xf32, #tpu.memory_space<vmem>>) target(%dma_start3A_196 : memref<128x128xf32, #tpu.memory_space<hbm>>) target_semaphore(%run_scoped3A : memref<!tpu.dma_semaphore, #tpu.memory_space<semaphore_mem>>)
      %dma_wait3A_197 = arith.constant 0 : i32
      %dma_wait3A_198 = tpu.memref_slice %arg4[%add3A_41, %dma_wait3A_197] : memref<65536x128xf32, #tpu.memory_space<hbm>> -> memref<128x128xf32, #tpu.memory_space<hbm>>
      %dma_wait3A_199 = arith.constant 0 : i32
      %dma_wait3A_200 = tpu.memref_slice %arg4[%add3A_41, %dma_wait3A_199] : memref<65536x128xf32, #tpu.memory_space<hbm>> -> memref<128x128xf32, #tpu.memory_space<hbm>>
      tpu.wait_dma2 semaphore(%run_scoped3A : memref<!tpu.dma_semaphore, #tpu.memory_space<semaphore_mem>>) src(%arg6 : memref<128x128xf32, #tpu.memory_space<vmem>>) dst(%dma_wait3A_200 : memref<128x128xf32, #tpu.memory_space<hbm>>)
      tpu.yield
    }) : () -> ()
    %dma_start3A_42 = arith.constant 512 : i32
    %dma_start3A_43 = tpu.memref_slice %arg5[%dma_start3A_42] : memref<2048xi32, #tpu.memory_space<vmem>> -> memref<128xi32, #tpu.memory_space<vmem>>
    %dma_start3A_44 = arith.constant 0 : i32
    %dma_start3A_45 = arith.constant 0 : i32
    %dma_start3A_46 = tpu.memref_slice %arg2[%dma_start3A_44, %dma_start3A_45] : memref<8192x128xf32, #tpu.memory_space<hbm>> -> memref<8192x128xf32, #tpu.memory_space<hbm>>
    tpu.enqueue_indirect_dma source(%dma_start3A_46 : memref<8192x128xf32, #tpu.memory_space<hbm>>) target(%arg6 : memref<128x128xf32, #tpu.memory_space<vmem>>) offsets(%dma_start3A_43 : memref<128xi32, #tpu.memory_space<vmem>>) semaphore(%arg8 : memref<!tpu.dma_semaphore, #tpu.memory_space<semaphore_mem>>)
    %dma_wait3A_47 = arith.constant 384 : i32
    %dma_wait3A_48 = tpu.memref_slice %arg5[%dma_wait3A_47] : memref<2048xi32, #tpu.memory_space<vmem>> -> memref<128xi32, #tpu.memory_space<vmem>>
    %dma_wait3A_49 = arith.constant 0 : i32
    %dma_wait3A_50 = arith.constant 0 : i32
    %dma_wait3A_51 = tpu.memref_slice %arg2[%dma_wait3A_49, %dma_wait3A_50] : memref<8192x128xf32, #tpu.memory_space<hbm>> -> memref<8192x128xf32, #tpu.memory_space<hbm>>
    tpu.wait_indirect_dma semaphore(%arg9 : memref<!tpu.dma_semaphore, #tpu.memory_space<semaphore_mem>>) src(%dma_wait3A_51 : memref<8192x128xf32, #tpu.memory_space<hbm>>) dst(%arg7 : memref<128x128xf32, #tpu.memory_space<vmem>>)
    %add3A_52 = arith.constant 384 : i32
    %add3A_53 = arith.addi %mul3A_2, %add3A_52 : i32
    "tpu.region"() ({
      %run_scoped3A = tpu.sem_alloc : memref<!tpu.dma_semaphore, #tpu.memory_space<semaphore_mem>>
      %dma_start3A_193 = arith.constant 0 : i32
      %dma_start3A_194 = tpu.memref_slice %arg4[%add3A_53, %dma_start3A_193] : memref<65536x128xf32, #tpu.memory_space<hbm>> -> memref<128x128xf32, #tpu.memory_space<hbm>>
      %dma_start3A_195 = arith.constant 0 : i32
      %dma_start3A_196 = tpu.memref_slice %arg4[%add3A_53, %dma_start3A_195] : memref<65536x128xf32, #tpu.memory_space<hbm>> -> memref<128x128xf32, #tpu.memory_space<hbm>>
      tpu.enqueue_dma source(%arg7 : memref<128x128xf32, #tpu.memory_space<vmem>>) target(%dma_start3A_196 : memref<128x128xf32, #tpu.memory_space<hbm>>) target_semaphore(%run_scoped3A : memref<!tpu.dma_semaphore, #tpu.memory_space<semaphore_mem>>)
      %dma_wait3A_197 = arith.constant 0 : i32
      %dma_wait3A_198 = tpu.memref_slice %arg4[%add3A_53, %dma_wait3A_197] : memref<65536x128xf32, #tpu.memory_space<hbm>> -> memref<128x128xf32, #tpu.memory_space<hbm>>
      %dma_wait3A_199 = arith.constant 0 : i32
      %dma_wait3A_200 = tpu.memref_slice %arg4[%add3A_53, %dma_wait3A_199] : memref<65536x128xf32, #tpu.memory_space<hbm>> -> memref<128x128xf32, #tpu.memory_space<hbm>>
      tpu.wait_dma2 semaphore(%run_scoped3A : memref<!tpu.dma_semaphore, #tpu.memory_space<semaphore_mem>>) src(%arg7 : memref<128x128xf32, #tpu.memory_space<vmem>>) dst(%dma_wait3A_200 : memref<128x128xf32, #tpu.memory_space<hbm>>)
      tpu.yield
    }) : () -> ()
    %dma_start3A_54 = arith.constant 640 : i32
    %dma_start3A_55 = tpu.memref_slice %arg5[%dma_start3A_54] : memref<2048xi32, #tpu.memory_space<vmem>> -> memref<128xi32, #tpu.memory_space<vmem>>
    %dma_start3A_56 = arith.constant 0 : i32
    %dma_start3A_57 = arith.constant 0 : i32
    %dma_start3A_58 = tpu.memref_slice %arg2[%dma_start3A_56, %dma_start3A_57] : memref<8192x128xf32, #tpu.memory_space<hbm>> -> memref<8192x128xf32, #tpu.memory_space<hbm>>
    tpu.enqueue_indirect_dma source(%dma_start3A_58 : memref<8192x128xf32, #tpu.memory_space<hbm>>) target(%arg7 : memref<128x128xf32, #tpu.memory_space<vmem>>) offsets(%dma_start3A_55 : memref<128xi32, #tpu.memory_space<vmem>>) semaphore(%arg9 : memref<!tpu.dma_semaphore, #tpu.memory_space<semaphore_mem>>)
    %dma_wait3A_59 = arith.constant 512 : i32
    %dma_wait3A_60 = tpu.memref_slice %arg5[%dma_wait3A_59] : memref<2048xi32, #tpu.memory_space<vmem>> -> memref<128xi32, #tpu.memory_space<vmem>>
    %dma_wait3A_61 = arith.constant 0 : i32
    %dma_wait3A_62 = arith.constant 0 : i32
    %dma_wait3A_63 = tpu.memref_slice %arg2[%dma_wait3A_61, %dma_wait3A_62] : memref<8192x128xf32, #tpu.memory_space<hbm>> -> memref<8192x128xf32, #tpu.memory_space<hbm>>
    tpu.wait_indirect_dma semaphore(%arg8 : memref<!tpu.dma_semaphore, #tpu.memory_space<semaphore_mem>>) src(%dma_wait3A_63 : memref<8192x128xf32, #tpu.memory_space<hbm>>) dst(%arg6 : memref<128x128xf32, #tpu.memory_space<vmem>>)
    %add3A_64 = arith.constant 512 : i32
    %add3A_65 = arith.addi %mul3A_2, %add3A_64 : i32
    "tpu.region"() ({
      %run_scoped3A = tpu.sem_alloc : memref<!tpu.dma_semaphore, #tpu.memory_space<semaphore_mem>>
      %dma_start3A_193 = arith.constant 0 : i32
      %dma_start3A_194 = tpu.memref_slice %arg4[%add3A_65, %dma_start3A_193] : memref<65536x128xf32, #tpu.memory_space<hbm>> -> memref<128x128xf32, #tpu.memory_space<hbm>>
      %dma_start3A_195 = arith.constant 0 : i32
      %dma_start3A_196 = tpu.memref_slice %arg4[%add3A_65, %dma_start3A_195] : memref<65536x128xf32, #tpu.memory_space<hbm>> -> memref<128x128xf32, #tpu.memory_space<hbm>>
      tpu.enqueue_dma source(%arg6 : memref<128x128xf32, #tpu.memory_space<vmem>>) target(%dma_start3A_196 : memref<128x128xf32, #tpu.memory_space<hbm>>) target_semaphore(%run_scoped3A : memref<!tpu.dma_semaphore, #tpu.memory_space<semaphore_mem>>)
      %dma_wait3A_197 = arith.constant 0 : i32
      %dma_wait3A_198 = tpu.memref_slice %arg4[%add3A_65, %dma_wait3A_197] : memref<65536x128xf32, #tpu.memory_space<hbm>> -> memref<128x128xf32, #tpu.memory_space<hbm>>
      %dma_wait3A_199 = arith.constant 0 : i32
      %dma_wait3A_200 = tpu.memref_slice %arg4[%add3A_65, %dma_wait3A_199] : memref<65536x128xf32, #tpu.memory_space<hbm>> -> memref<128x128xf32, #tpu.memory_space<hbm>>
      tpu.wait_dma2 semaphore(%run_scoped3A : memref<!tpu.dma_semaphore, #tpu.memory_space<semaphore_mem>>) src(%arg6 : memref<128x128xf32, #tpu.memory_space<vmem>>) dst(%dma_wait3A_200 : memref<128x128xf32, #tpu.memory_space<hbm>>)
      tpu.yield
    }) : () -> ()
    %dma_start3A_66 = arith.constant 768 : i32
    %dma_start3A_67 = tpu.memref_slice %arg5[%dma_start3A_66] : memref<2048xi32, #tpu.memory_space<vmem>> -> memref<128xi32, #tpu.memory_space<vmem>>
    %dma_start3A_68 = arith.constant 0 : i32
    %dma_start3A_69 = arith.constant 0 : i32
    %dma_start3A_70 = tpu.memref_slice %arg2[%dma_start3A_68, %dma_start3A_69] : memref<8192x128xf32, #tpu.memory_space<hbm>> -> memref<8192x128xf32, #tpu.memory_space<hbm>>
    tpu.enqueue_indirect_dma source(%dma_start3A_70 : memref<8192x128xf32, #tpu.memory_space<hbm>>) target(%arg6 : memref<128x128xf32, #tpu.memory_space<vmem>>) offsets(%dma_start3A_67 : memref<128xi32, #tpu.memory_space<vmem>>) semaphore(%arg8 : memref<!tpu.dma_semaphore, #tpu.memory_space<semaphore_mem>>)
    %dma_wait3A_71 = arith.constant 640 : i32
    %dma_wait3A_72 = tpu.memref_slice %arg5[%dma_wait3A_71] : memref<2048xi32, #tpu.memory_space<vmem>> -> memref<128xi32, #tpu.memory_space<vmem>>
    %dma_wait3A_73 = arith.constant 0 : i32
    %dma_wait3A_74 = arith.constant 0 : i32
    %dma_wait3A_75 = tpu.memref_slice %arg2[%dma_wait3A_73, %dma_wait3A_74] : memref<8192x128xf32, #tpu.memory_space<hbm>> -> memref<8192x128xf32, #tpu.memory_space<hbm>>
    tpu.wait_indirect_dma semaphore(%arg9 : memref<!tpu.dma_semaphore, #tpu.memory_space<semaphore_mem>>) src(%dma_wait3A_75 : memref<8192x128xf32, #tpu.memory_space<hbm>>) dst(%arg7 : memref<128x128xf32, #tpu.memory_space<vmem>>)
    %add3A_76 = arith.constant 640 : i32
    %add3A_77 = arith.addi %mul3A_2, %add3A_76 : i32
    "tpu.region"() ({
      %run_scoped3A = tpu.sem_alloc : memref<!tpu.dma_semaphore, #tpu.memory_space<semaphore_mem>>
      %dma_start3A_193 = arith.constant 0 : i32
      %dma_start3A_194 = tpu.memref_slice %arg4[%add3A_77, %dma_start3A_193] : memref<65536x128xf32, #tpu.memory_space<hbm>> -> memref<128x128xf32, #tpu.memory_space<hbm>>
      %dma_start3A_195 = arith.constant 0 : i32
      %dma_start3A_196 = tpu.memref_slice %arg4[%add3A_77, %dma_start3A_195] : memref<65536x128xf32, #tpu.memory_space<hbm>> -> memref<128x128xf32, #tpu.memory_space<hbm>>
      tpu.enqueue_dma source(%arg7 : memref<128x128xf32, #tpu.memory_space<vmem>>) target(%dma_start3A_196 : memref<128x128xf32, #tpu.memory_space<hbm>>) target_semaphore(%run_scoped3A : memref<!tpu.dma_semaphore, #tpu.memory_space<semaphore_mem>>)
      %dma_wait3A_197 = arith.constant 0 : i32
      %dma_wait3A_198 = tpu.memref_slice %arg4[%add3A_77, %dma_wait3A_197] : memref<65536x128xf32, #tpu.memory_space<hbm>> -> memref<128x128xf32, #tpu.memory_space<hbm>>
      %dma_wait3A_199 = arith.constant 0 : i32
      %dma_wait3A_200 = tpu.memref_slice %arg4[%add3A_77, %dma_wait3A_199] : memref<65536x128xf32, #tpu.memory_space<hbm>> -> memref<128x128xf32, #tpu.memory_space<hbm>>
      tpu.wait_dma2 semaphore(%run_scoped3A : memref<!tpu.dma_semaphore, #tpu.memory_space<semaphore_mem>>) src(%arg7 : memref<128x128xf32, #tpu.memory_space<vmem>>) dst(%dma_wait3A_200 : memref<128x128xf32, #tpu.memory_space<hbm>>)
      tpu.yield
    }) : () -> ()
    %dma_start3A_78 = arith.constant 896 : i32
    %dma_start3A_79 = tpu.memref_slice %arg5[%dma_start3A_78] : memref<2048xi32, #tpu.memory_space<vmem>> -> memref<128xi32, #tpu.memory_space<vmem>>
    %dma_start3A_80 = arith.constant 0 : i32
    %dma_start3A_81 = arith.constant 0 : i32
    %dma_start3A_82 = tpu.memref_slice %arg2[%dma_start3A_80, %dma_start3A_81] : memref<8192x128xf32, #tpu.memory_space<hbm>> -> memref<8192x128xf32, #tpu.memory_space<hbm>>
    tpu.enqueue_indirect_dma source(%dma_start3A_82 : memref<8192x128xf32, #tpu.memory_space<hbm>>) target(%arg7 : memref<128x128xf32, #tpu.memory_space<vmem>>) offsets(%dma_start3A_79 : memref<128xi32, #tpu.memory_space<vmem>>) semaphore(%arg9 : memref<!tpu.dma_semaphore, #tpu.memory_space<semaphore_mem>>)
    %dma_wait3A_83 = arith.constant 768 : i32
    %dma_wait3A_84 = tpu.memref_slice %arg5[%dma_wait3A_83] : memref<2048xi32, #tpu.memory_space<vmem>> -> memref<128xi32, #tpu.memory_space<vmem>>
    %dma_wait3A_85 = arith.constant 0 : i32
    %dma_wait3A_86 = arith.constant 0 : i32
    %dma_wait3A_87 = tpu.memref_slice %arg2[%dma_wait3A_85, %dma_wait3A_86] : memref<8192x128xf32, #tpu.memory_space<hbm>> -> memref<8192x128xf32, #tpu.memory_space<hbm>>
    tpu.wait_indirect_dma semaphore(%arg8 : memref<!tpu.dma_semaphore, #tpu.memory_space<semaphore_mem>>) src(%dma_wait3A_87 : memref<8192x128xf32, #tpu.memory_space<hbm>>) dst(%arg6 : memref<128x128xf32, #tpu.memory_space<vmem>>)
    %add3A_88 = arith.constant 768 : i32
    %add3A_89 = arith.addi %mul3A_2, %add3A_88 : i32
    "tpu.region"() ({
      %run_scoped3A = tpu.sem_alloc : memref<!tpu.dma_semaphore, #tpu.memory_space<semaphore_mem>>
      %dma_start3A_193 = arith.constant 0 : i32
      %dma_start3A_194 = tpu.memref_slice %arg4[%add3A_89, %dma_start3A_193] : memref<65536x128xf32, #tpu.memory_space<hbm>> -> memref<128x128xf32, #tpu.memory_space<hbm>>
      %dma_start3A_195 = arith.constant 0 : i32
      %dma_start3A_196 = tpu.memref_slice %arg4[%add3A_89, %dma_start3A_195] : memref<65536x128xf32, #tpu.memory_space<hbm>> -> memref<128x128xf32, #tpu.memory_space<hbm>>
      tpu.enqueue_dma source(%arg6 : memref<128x128xf32, #tpu.memory_space<vmem>>) target(%dma_start3A_196 : memref<128x128xf32, #tpu.memory_space<hbm>>) target_semaphore(%run_scoped3A : memref<!tpu.dma_semaphore, #tpu.memory_space<semaphore_mem>>)
      %dma_wait3A_197 = arith.constant 0 : i32
      %dma_wait3A_198 = tpu.memref_slice %arg4[%add3A_89, %dma_wait3A_197] : memref<65536x128xf32, #tpu.memory_space<hbm>> -> memref<128x128xf32, #tpu.memory_space<hbm>>
      %dma_wait3A_199 = arith.constant 0 : i32
      %dma_wait3A_200 = tpu.memref_slice %arg4[%add3A_89, %dma_wait3A_199] : memref<65536x128xf32, #tpu.memory_space<hbm>> -> memref<128x128xf32, #tpu.memory_space<hbm>>
      tpu.wait_dma2 semaphore(%run_scoped3A : memref<!tpu.dma_semaphore, #tpu.memory_space<semaphore_mem>>) src(%arg6 : memref<128x128xf32, #tpu.memory_space<vmem>>) dst(%dma_wait3A_200 : memref<128x128xf32, #tpu.memory_space<hbm>>)
      tpu.yield
    }) : () -> ()
    %dma_start3A_90 = arith.constant 1024 : i32
    %dma_start3A_91 = tpu.memref_slice %arg5[%dma_start3A_90] : memref<2048xi32, #tpu.memory_space<vmem>> -> memref<128xi32, #tpu.memory_space<vmem>>
    %dma_start3A_92 = arith.constant 0 : i32
    %dma_start3A_93 = arith.constant 0 : i32
    %dma_start3A_94 = tpu.memref_slice %arg2[%dma_start3A_92, %dma_start3A_93] : memref<8192x128xf32, #tpu.memory_space<hbm>> -> memref<8192x128xf32, #tpu.memory_space<hbm>>
    tpu.enqueue_indirect_dma source(%dma_start3A_94 : memref<8192x128xf32, #tpu.memory_space<hbm>>) target(%arg6 : memref<128x128xf32, #tpu.memory_space<vmem>>) offsets(%dma_start3A_91 : memref<128xi32, #tpu.memory_space<vmem>>) semaphore(%arg8 : memref<!tpu.dma_semaphore, #tpu.memory_space<semaphore_mem>>)
    %dma_wait3A_95 = arith.constant 896 : i32
    %dma_wait3A_96 = tpu.memref_slice %arg5[%dma_wait3A_95] : memref<2048xi32, #tpu.memory_space<vmem>> -> memref<128xi32, #tpu.memory_space<vmem>>
    %dma_wait3A_97 = arith.constant 0 : i32
    %dma_wait3A_98 = arith.constant 0 : i32
    %dma_wait3A_99 = tpu.memref_slice %arg2[%dma_wait3A_97, %dma_wait3A_98] : memref<8192x128xf32, #tpu.memory_space<hbm>> -> memref<8192x128xf32, #tpu.memory_space<hbm>>
    tpu.wait_indirect_dma semaphore(%arg9 : memref<!tpu.dma_semaphore, #tpu.memory_space<semaphore_mem>>) src(%dma_wait3A_99 : memref<8192x128xf32, #tpu.memory_space<hbm>>) dst(%arg7 : memref<128x128xf32, #tpu.memory_space<vmem>>)
    %add3A_100 = arith.constant 896 : i32
    %add3A_101 = arith.addi %mul3A_2, %add3A_100 : i32
    "tpu.region"() ({
      %run_scoped3A = tpu.sem_alloc : memref<!tpu.dma_semaphore, #tpu.memory_space<semaphore_mem>>
      %dma_start3A_193 = arith.constant 0 : i32
      %dma_start3A_194 = tpu.memref_slice %arg4[%add3A_101, %dma_start3A_193] : memref<65536x128xf32, #tpu.memory_space<hbm>> -> memref<128x128xf32, #tpu.memory_space<hbm>>
      %dma_start3A_195 = arith.constant 0 : i32
      %dma_start3A_196 = tpu.memref_slice %arg4[%add3A_101, %dma_start3A_195] : memref<65536x128xf32, #tpu.memory_space<hbm>> -> memref<128x128xf32, #tpu.memory_space<hbm>>
      tpu.enqueue_dma source(%arg7 : memref<128x128xf32, #tpu.memory_space<vmem>>) target(%dma_start3A_196 : memref<128x128xf32, #tpu.memory_space<hbm>>) target_semaphore(%run_scoped3A : memref<!tpu.dma_semaphore, #tpu.memory_space<semaphore_mem>>)
      %dma_wait3A_197 = arith.constant 0 : i32
      %dma_wait3A_198 = tpu.memref_slice %arg4[%add3A_101, %dma_wait3A_197] : memref<65536x128xf32, #tpu.memory_space<hbm>> -> memref<128x128xf32, #tpu.memory_space<hbm>>
      %dma_wait3A_199 = arith.constant 0 : i32
      %dma_wait3A_200 = tpu.memref_slice %arg4[%add3A_101, %dma_wait3A_199] : memref<65536x128xf32, #tpu.memory_space<hbm>> -> memref<128x128xf32, #tpu.memory_space<hbm>>
      tpu.wait_dma2 semaphore(%run_scoped3A : memref<!tpu.dma_semaphore, #tpu.memory_space<semaphore_mem>>) src(%arg7 : memref<128x128xf32, #tpu.memory_space<vmem>>) dst(%dma_wait3A_200 : memref<128x128xf32, #tpu.memory_space<hbm>>)
      tpu.yield
    }) : () -> ()
    %dma_start3A_102 = arith.constant 1152 : i32
    %dma_start3A_103 = tpu.memref_slice %arg5[%dma_start3A_102] : memref<2048xi32, #tpu.memory_space<vmem>> -> memref<128xi32, #tpu.memory_space<vmem>>
    %dma_start3A_104 = arith.constant 0 : i32
    %dma_start3A_105 = arith.constant 0 : i32
    %dma_start3A_106 = tpu.memref_slice %arg2[%dma_start3A_104, %dma_start3A_105] : memref<8192x128xf32, #tpu.memory_space<hbm>> -> memref<8192x128xf32, #tpu.memory_space<hbm>>
    tpu.enqueue_indirect_dma source(%dma_start3A_106 : memref<8192x128xf32, #tpu.memory_space<hbm>>) target(%arg7 : memref<128x128xf32, #tpu.memory_space<vmem>>) offsets(%dma_start3A_103 : memref<128xi32, #tpu.memory_space<vmem>>) semaphore(%arg9 : memref<!tpu.dma_semaphore, #tpu.memory_space<semaphore_mem>>)
    %dma_wait3A_107 = arith.constant 1024 : i32
    %dma_wait3A_108 = tpu.memref_slice %arg5[%dma_wait3A_107] : memref<2048xi32, #tpu.memory_space<vmem>> -> memref<128xi32, #tpu.memory_space<vmem>>
    %dma_wait3A_109 = arith.constant 0 : i32
    %dma_wait3A_110 = arith.constant 0 : i32
    %dma_wait3A_111 = tpu.memref_slice %arg2[%dma_wait3A_109, %dma_wait3A_110] : memref<8192x128xf32, #tpu.memory_space<hbm>> -> memref<8192x128xf32, #tpu.memory_space<hbm>>
    tpu.wait_indirect_dma semaphore(%arg8 : memref<!tpu.dma_semaphore, #tpu.memory_space<semaphore_mem>>) src(%dma_wait3A_111 : memref<8192x128xf32, #tpu.memory_space<hbm>>) dst(%arg6 : memref<128x128xf32, #tpu.memory_space<vmem>>)
    %add3A_112 = arith.constant 1024 : i32
    %add3A_113 = arith.addi %mul3A_2, %add3A_112 : i32
    "tpu.region"() ({
      %run_scoped3A = tpu.sem_alloc : memref<!tpu.dma_semaphore, #tpu.memory_space<semaphore_mem>>
      %dma_start3A_193 = arith.constant 0 : i32
      %dma_start3A_194 = tpu.memref_slice %arg4[%add3A_113, %dma_start3A_193] : memref<65536x128xf32, #tpu.memory_space<hbm>> -> memref<128x128xf32, #tpu.memory_space<hbm>>
      %dma_start3A_195 = arith.constant 0 : i32
      %dma_start3A_196 = tpu.memref_slice %arg4[%add3A_113, %dma_start3A_195] : memref<65536x128xf32, #tpu.memory_space<hbm>> -> memref<128x128xf32, #tpu.memory_space<hbm>>
      tpu.enqueue_dma source(%arg6 : memref<128x128xf32, #tpu.memory_space<vmem>>) target(%dma_start3A_196 : memref<128x128xf32, #tpu.memory_space<hbm>>) target_semaphore(%run_scoped3A : memref<!tpu.dma_semaphore, #tpu.memory_space<semaphore_mem>>)
      %dma_wait3A_197 = arith.constant 0 : i32
      %dma_wait3A_198 = tpu.memref_slice %arg4[%add3A_113, %dma_wait3A_197] : memref<65536x128xf32, #tpu.memory_space<hbm>> -> memref<128x128xf32, #tpu.memory_space<hbm>>
      %dma_wait3A_199 = arith.constant 0 : i32
      %dma_wait3A_200 = tpu.memref_slice %arg4[%add3A_113, %dma_wait3A_199] : memref<65536x128xf32, #tpu.memory_space<hbm>> -> memref<128x128xf32, #tpu.memory_space<hbm>>
      tpu.wait_dma2 semaphore(%run_scoped3A : memref<!tpu.dma_semaphore, #tpu.memory_space<semaphore_mem>>) src(%arg6 : memref<128x128xf32, #tpu.memory_space<vmem>>) dst(%dma_wait3A_200 : memref<128x128xf32, #tpu.memory_space<hbm>>)
      tpu.yield
    }) : () -> ()
    %dma_start3A_114 = arith.constant 1280 : i32
    %dma_start3A_115 = tpu.memref_slice %arg5[%dma_start3A_114] : memref<2048xi32, #tpu.memory_space<vmem>> -> memref<128xi32, #tpu.memory_space<vmem>>
    %dma_start3A_116 = arith.constant 0 : i32
    %dma_start3A_117 = arith.constant 0 : i32
    %dma_start3A_118 = tpu.memref_slice %arg2[%dma_start3A_116, %dma_start3A_117] : memref<8192x128xf32, #tpu.memory_space<hbm>> -> memref<8192x128xf32, #tpu.memory_space<hbm>>
    tpu.enqueue_indirect_dma source(%dma_start3A_118 : memref<8192x128xf32, #tpu.memory_space<hbm>>) target(%arg6 : memref<128x128xf32, #tpu.memory_space<vmem>>) offsets(%dma_start3A_115 : memref<128xi32, #tpu.memory_space<vmem>>) semaphore(%arg8 : memref<!tpu.dma_semaphore, #tpu.memory_space<semaphore_mem>>)
    %dma_wait3A_119 = arith.constant 1152 : i32
    %dma_wait3A_120 = tpu.memref_slice %arg5[%dma_wait3A_119] : memref<2048xi32, #tpu.memory_space<vmem>> -> memref<128xi32, #tpu.memory_space<vmem>>
    %dma_wait3A_121 = arith.constant 0 : i32
    %dma_wait3A_122 = arith.constant 0 : i32
    %dma_wait3A_123 = tpu.memref_slice %arg2[%dma_wait3A_121, %dma_wait3A_122] : memref<8192x128xf32, #tpu.memory_space<hbm>> -> memref<8192x128xf32, #tpu.memory_space<hbm>>
    tpu.wait_indirect_dma semaphore(%arg9 : memref<!tpu.dma_semaphore, #tpu.memory_space<semaphore_mem>>) src(%dma_wait3A_123 : memref<8192x128xf32, #tpu.memory_space<hbm>>) dst(%arg7 : memref<128x128xf32, #tpu.memory_space<vmem>>)
    %add3A_124 = arith.constant 1152 : i32
    %add3A_125 = arith.addi %mul3A_2, %add3A_124 : i32
    "tpu.region"() ({
      %run_scoped3A = tpu.sem_alloc : memref<!tpu.dma_semaphore, #tpu.memory_space<semaphore_mem>>
      %dma_start3A_193 = arith.constant 0 : i32
      %dma_start3A_194 = tpu.memref_slice %arg4[%add3A_125, %dma_start3A_193] : memref<65536x128xf32, #tpu.memory_space<hbm>> -> memref<128x128xf32, #tpu.memory_space<hbm>>
      %dma_start3A_195 = arith.constant 0 : i32
      %dma_start3A_196 = tpu.memref_slice %arg4[%add3A_125, %dma_start3A_195] : memref<65536x128xf32, #tpu.memory_space<hbm>> -> memref<128x128xf32, #tpu.memory_space<hbm>>
      tpu.enqueue_dma source(%arg7 : memref<128x128xf32, #tpu.memory_space<vmem>>) target(%dma_start3A_196 : memref<128x128xf32, #tpu.memory_space<hbm>>) target_semaphore(%run_scoped3A : memref<!tpu.dma_semaphore, #tpu.memory_space<semaphore_mem>>)
      %dma_wait3A_197 = arith.constant 0 : i32
      %dma_wait3A_198 = tpu.memref_slice %arg4[%add3A_125, %dma_wait3A_197] : memref<65536x128xf32, #tpu.memory_space<hbm>> -> memref<128x128xf32, #tpu.memory_space<hbm>>
      %dma_wait3A_199 = arith.constant 0 : i32
      %dma_wait3A_200 = tpu.memref_slice %arg4[%add3A_125, %dma_wait3A_199] : memref<65536x128xf32, #tpu.memory_space<hbm>> -> memref<128x128xf32, #tpu.memory_space<hbm>>
      tpu.wait_dma2 semaphore(%run_scoped3A : memref<!tpu.dma_semaphore, #tpu.memory_space<semaphore_mem>>) src(%arg7 : memref<128x128xf32, #tpu.memory_space<vmem>>) dst(%dma_wait3A_200 : memref<128x128xf32, #tpu.memory_space<hbm>>)
      tpu.yield
    }) : () -> ()
    %dma_start3A_126 = arith.constant 1408 : i32
    %dma_start3A_127 = tpu.memref_slice %arg5[%dma_start3A_126] : memref<2048xi32, #tpu.memory_space<vmem>> -> memref<128xi32, #tpu.memory_space<vmem>>
    %dma_start3A_128 = arith.constant 0 : i32
    %dma_start3A_129 = arith.constant 0 : i32
    %dma_start3A_130 = tpu.memref_slice %arg2[%dma_start3A_128, %dma_start3A_129] : memref<8192x128xf32, #tpu.memory_space<hbm>> -> memref<8192x128xf32, #tpu.memory_space<hbm>>
    tpu.enqueue_indirect_dma source(%dma_start3A_130 : memref<8192x128xf32, #tpu.memory_space<hbm>>) target(%arg7 : memref<128x128xf32, #tpu.memory_space<vmem>>) offsets(%dma_start3A_127 : memref<128xi32, #tpu.memory_space<vmem>>) semaphore(%arg9 : memref<!tpu.dma_semaphore, #tpu.memory_space<semaphore_mem>>)
    %dma_wait3A_131 = arith.constant 1280 : i32
    %dma_wait3A_132 = tpu.memref_slice %arg5[%dma_wait3A_131] : memref<2048xi32, #tpu.memory_space<vmem>> -> memref<128xi32, #tpu.memory_space<vmem>>
    %dma_wait3A_133 = arith.constant 0 : i32
    %dma_wait3A_134 = arith.constant 0 : i32
    %dma_wait3A_135 = tpu.memref_slice %arg2[%dma_wait3A_133, %dma_wait3A_134] : memref<8192x128xf32, #tpu.memory_space<hbm>> -> memref<8192x128xf32, #tpu.memory_space<hbm>>
    tpu.wait_indirect_dma semaphore(%arg8 : memref<!tpu.dma_semaphore, #tpu.memory_space<semaphore_mem>>) src(%dma_wait3A_135 : memref<8192x128xf32, #tpu.memory_space<hbm>>) dst(%arg6 : memref<128x128xf32, #tpu.memory_space<vmem>>)
    %add3A_136 = arith.constant 1280 : i32
    %add3A_137 = arith.addi %mul3A_2, %add3A_136 : i32
    "tpu.region"() ({
      %run_scoped3A = tpu.sem_alloc : memref<!tpu.dma_semaphore, #tpu.memory_space<semaphore_mem>>
      %dma_start3A_193 = arith.constant 0 : i32
      %dma_start3A_194 = tpu.memref_slice %arg4[%add3A_137, %dma_start3A_193] : memref<65536x128xf32, #tpu.memory_space<hbm>> -> memref<128x128xf32, #tpu.memory_space<hbm>>
      %dma_start3A_195 = arith.constant 0 : i32
      %dma_start3A_196 = tpu.memref_slice %arg4[%add3A_137, %dma_start3A_195] : memref<65536x128xf32, #tpu.memory_space<hbm>> -> memref<128x128xf32, #tpu.memory_space<hbm>>
      tpu.enqueue_dma source(%arg6 : memref<128x128xf32, #tpu.memory_space<vmem>>) target(%dma_start3A_196 : memref<128x128xf32, #tpu.memory_space<hbm>>) target_semaphore(%run_scoped3A : memref<!tpu.dma_semaphore, #tpu.memory_space<semaphore_mem>>)
      %dma_wait3A_197 = arith.constant 0 : i32
      %dma_wait3A_198 = tpu.memref_slice %arg4[%add3A_137, %dma_wait3A_197] : memref<65536x128xf32, #tpu.memory_space<hbm>> -> memref<128x128xf32, #tpu.memory_space<hbm>>
      %dma_wait3A_199 = arith.constant 0 : i32
      %dma_wait3A_200 = tpu.memref_slice %arg4[%add3A_137, %dma_wait3A_199] : memref<65536x128xf32, #tpu.memory_space<hbm>> -> memref<128x128xf32, #tpu.memory_space<hbm>>
      tpu.wait_dma2 semaphore(%run_scoped3A : memref<!tpu.dma_semaphore, #tpu.memory_space<semaphore_mem>>) src(%arg6 : memref<128x128xf32, #tpu.memory_space<vmem>>) dst(%dma_wait3A_200 : memref<128x128xf32, #tpu.memory_space<hbm>>)
      tpu.yield
    }) : () -> ()
    %dma_start3A_138 = arith.constant 1536 : i32
    %dma_start3A_139 = tpu.memref_slice %arg5[%dma_start3A_138] : memref<2048xi32, #tpu.memory_space<vmem>> -> memref<128xi32, #tpu.memory_space<vmem>>
    %dma_start3A_140 = arith.constant 0 : i32
    %dma_start3A_141 = arith.constant 0 : i32
    %dma_start3A_142 = tpu.memref_slice %arg2[%dma_start3A_140, %dma_start3A_141] : memref<8192x128xf32, #tpu.memory_space<hbm>> -> memref<8192x128xf32, #tpu.memory_space<hbm>>
    tpu.enqueue_indirect_dma source(%dma_start3A_142 : memref<8192x128xf32, #tpu.memory_space<hbm>>) target(%arg6 : memref<128x128xf32, #tpu.memory_space<vmem>>) offsets(%dma_start3A_139 : memref<128xi32, #tpu.memory_space<vmem>>) semaphore(%arg8 : memref<!tpu.dma_semaphore, #tpu.memory_space<semaphore_mem>>)
    %dma_wait3A_143 = arith.constant 1408 : i32
    %dma_wait3A_144 = tpu.memref_slice %arg5[%dma_wait3A_143] : memref<2048xi32, #tpu.memory_space<vmem>> -> memref<128xi32, #tpu.memory_space<vmem>>
    %dma_wait3A_145 = arith.constant 0 : i32
    %dma_wait3A_146 = arith.constant 0 : i32
    %dma_wait3A_147 = tpu.memref_slice %arg2[%dma_wait3A_145, %dma_wait3A_146] : memref<8192x128xf32, #tpu.memory_space<hbm>> -> memref<8192x128xf32, #tpu.memory_space<hbm>>
    tpu.wait_indirect_dma semaphore(%arg9 : memref<!tpu.dma_semaphore, #tpu.memory_space<semaphore_mem>>) src(%dma_wait3A_147 : memref<8192x128xf32, #tpu.memory_space<hbm>>) dst(%arg7 : memref<128x128xf32, #tpu.memory_space<vmem>>)
    %add3A_148 = arith.constant 1408 : i32
    %add3A_149 = arith.addi %mul3A_2, %add3A_148 : i32
    "tpu.region"() ({
      %run_scoped3A = tpu.sem_alloc : memref<!tpu.dma_semaphore, #tpu.memory_space<semaphore_mem>>
      %dma_start3A_193 = arith.constant 0 : i32
      %dma_start3A_194 = tpu.memref_slice %arg4[%add3A_149, %dma_start3A_193] : memref<65536x128xf32, #tpu.memory_space<hbm>> -> memref<128x128xf32, #tpu.memory_space<hbm>>
      %dma_start3A_195 = arith.constant 0 : i32
      %dma_start3A_196 = tpu.memref_slice %arg4[%add3A_149, %dma_start3A_195] : memref<65536x128xf32, #tpu.memory_space<hbm>> -> memref<128x128xf32, #tpu.memory_space<hbm>>
      tpu.enqueue_dma source(%arg7 : memref<128x128xf32, #tpu.memory_space<vmem>>) target(%dma_start3A_196 : memref<128x128xf32, #tpu.memory_space<hbm>>) target_semaphore(%run_scoped3A : memref<!tpu.dma_semaphore, #tpu.memory_space<semaphore_mem>>)
      %dma_wait3A_197 = arith.constant 0 : i32
      %dma_wait3A_198 = tpu.memref_slice %arg4[%add3A_149, %dma_wait3A_197] : memref<65536x128xf32, #tpu.memory_space<hbm>> -> memref<128x128xf32, #tpu.memory_space<hbm>>
      %dma_wait3A_199 = arith.constant 0 : i32
      %dma_wait3A_200 = tpu.memref_slice %arg4[%add3A_149, %dma_wait3A_199] : memref<65536x128xf32, #tpu.memory_space<hbm>> -> memref<128x128xf32, #tpu.memory_space<hbm>>
      tpu.wait_dma2 semaphore(%run_scoped3A : memref<!tpu.dma_semaphore, #tpu.memory_space<semaphore_mem>>) src(%arg7 : memref<128x128xf32, #tpu.memory_space<vmem>>) dst(%dma_wait3A_200 : memref<128x128xf32, #tpu.memory_space<hbm>>)
      tpu.yield
    }) : () -> ()
    %dma_start3A_150 = arith.constant 1664 : i32
    %dma_start3A_151 = tpu.memref_slice %arg5[%dma_start3A_150] : memref<2048xi32, #tpu.memory_space<vmem>> -> memref<128xi32, #tpu.memory_space<vmem>>
    %dma_start3A_152 = arith.constant 0 : i32
    %dma_start3A_153 = arith.constant 0 : i32
    %dma_start3A_154 = tpu.memref_slice %arg2[%dma_start3A_152, %dma_start3A_153] : memref<8192x128xf32, #tpu.memory_space<hbm>> -> memref<8192x128xf32, #tpu.memory_space<hbm>>
    tpu.enqueue_indirect_dma source(%dma_start3A_154 : memref<8192x128xf32, #tpu.memory_space<hbm>>) target(%arg7 : memref<128x128xf32, #tpu.memory_space<vmem>>) offsets(%dma_start3A_151 : memref<128xi32, #tpu.memory_space<vmem>>) semaphore(%arg9 : memref<!tpu.dma_semaphore, #tpu.memory_space<semaphore_mem>>)
    %dma_wait3A_155 = arith.constant 1536 : i32
    %dma_wait3A_156 = tpu.memref_slice %arg5[%dma_wait3A_155] : memref<2048xi32, #tpu.memory_space<vmem>> -> memref<128xi32, #tpu.memory_space<vmem>>
    %dma_wait3A_157 = arith.constant 0 : i32
    %dma_wait3A_158 = arith.constant 0 : i32
    %dma_wait3A_159 = tpu.memref_slice %arg2[%dma_wait3A_157, %dma_wait3A_158] : memref<8192x128xf32, #tpu.memory_space<hbm>> -> memref<8192x128xf32, #tpu.memory_space<hbm>>
    tpu.wait_indirect_dma semaphore(%arg8 : memref<!tpu.dma_semaphore, #tpu.memory_space<semaphore_mem>>) src(%dma_wait3A_159 : memref<8192x128xf32, #tpu.memory_space<hbm>>) dst(%arg6 : memref<128x128xf32, #tpu.memory_space<vmem>>)
    %add3A_160 = arith.constant 1536 : i32
    %add3A_161 = arith.addi %mul3A_2, %add3A_160 : i32
    "tpu.region"() ({
      %run_scoped3A = tpu.sem_alloc : memref<!tpu.dma_semaphore, #tpu.memory_space<semaphore_mem>>
      %dma_start3A_193 = arith.constant 0 : i32
      %dma_start3A_194 = tpu.memref_slice %arg4[%add3A_161, %dma_start3A_193] : memref<65536x128xf32, #tpu.memory_space<hbm>> -> memref<128x128xf32, #tpu.memory_space<hbm>>
      %dma_start3A_195 = arith.constant 0 : i32
      %dma_start3A_196 = tpu.memref_slice %arg4[%add3A_161, %dma_start3A_195] : memref<65536x128xf32, #tpu.memory_space<hbm>> -> memref<128x128xf32, #tpu.memory_space<hbm>>
      tpu.enqueue_dma source(%arg6 : memref<128x128xf32, #tpu.memory_space<vmem>>) target(%dma_start3A_196 : memref<128x128xf32, #tpu.memory_space<hbm>>) target_semaphore(%run_scoped3A : memref<!tpu.dma_semaphore, #tpu.memory_space<semaphore_mem>>)
      %dma_wait3A_197 = arith.constant 0 : i32
      %dma_wait3A_198 = tpu.memref_slice %arg4[%add3A_161, %dma_wait3A_197] : memref<65536x128xf32, #tpu.memory_space<hbm>> -> memref<128x128xf32, #tpu.memory_space<hbm>>
      %dma_wait3A_199 = arith.constant 0 : i32
      %dma_wait3A_200 = tpu.memref_slice %arg4[%add3A_161, %dma_wait3A_199] : memref<65536x128xf32, #tpu.memory_space<hbm>> -> memref<128x128xf32, #tpu.memory_space<hbm>>
      tpu.wait_dma2 semaphore(%run_scoped3A : memref<!tpu.dma_semaphore, #tpu.memory_space<semaphore_mem>>) src(%arg6 : memref<128x128xf32, #tpu.memory_space<vmem>>) dst(%dma_wait3A_200 : memref<128x128xf32, #tpu.memory_space<hbm>>)
      tpu.yield
    }) : () -> ()
    %dma_start3A_162 = arith.constant 1792 : i32
    %dma_start3A_163 = tpu.memref_slice %arg5[%dma_start3A_162] : memref<2048xi32, #tpu.memory_space<vmem>> -> memref<128xi32, #tpu.memory_space<vmem>>
    %dma_start3A_164 = arith.constant 0 : i32
    %dma_start3A_165 = arith.constant 0 : i32
    %dma_start3A_166 = tpu.memref_slice %arg2[%dma_start3A_164, %dma_start3A_165] : memref<8192x128xf32, #tpu.memory_space<hbm>> -> memref<8192x128xf32, #tpu.memory_space<hbm>>
    tpu.enqueue_indirect_dma source(%dma_start3A_166 : memref<8192x128xf32, #tpu.memory_space<hbm>>) target(%arg6 : memref<128x128xf32, #tpu.memory_space<vmem>>) offsets(%dma_start3A_163 : memref<128xi32, #tpu.memory_space<vmem>>) semaphore(%arg8 : memref<!tpu.dma_semaphore, #tpu.memory_space<semaphore_mem>>)
    %dma_wait3A_167 = arith.constant 1664 : i32
    %dma_wait3A_168 = tpu.memref_slice %arg5[%dma_wait3A_167] : memref<2048xi32, #tpu.memory_space<vmem>> -> memref<128xi32, #tpu.memory_space<vmem>>
    %dma_wait3A_169 = arith.constant 0 : i32
    %dma_wait3A_170 = arith.constant 0 : i32
    %dma_wait3A_171 = tpu.memref_slice %arg2[%dma_wait3A_169, %dma_wait3A_170] : memref<8192x128xf32, #tpu.memory_space<hbm>> -> memref<8192x128xf32, #tpu.memory_space<hbm>>
    tpu.wait_indirect_dma semaphore(%arg9 : memref<!tpu.dma_semaphore, #tpu.memory_space<semaphore_mem>>) src(%dma_wait3A_171 : memref<8192x128xf32, #tpu.memory_space<hbm>>) dst(%arg7 : memref<128x128xf32, #tpu.memory_space<vmem>>)
    %add3A_172 = arith.constant 1664 : i32
    %add3A_173 = arith.addi %mul3A_2, %add3A_172 : i32
    "tpu.region"() ({
      %run_scoped3A = tpu.sem_alloc : memref<!tpu.dma_semaphore, #tpu.memory_space<semaphore_mem>>
      %dma_start3A_193 = arith.constant 0 : i32
      %dma_start3A_194 = tpu.memref_slice %arg4[%add3A_173, %dma_start3A_193] : memref<65536x128xf32, #tpu.memory_space<hbm>> -> memref<128x128xf32, #tpu.memory_space<hbm>>
      %dma_start3A_195 = arith.constant 0 : i32
      %dma_start3A_196 = tpu.memref_slice %arg4[%add3A_173, %dma_start3A_195] : memref<65536x128xf32, #tpu.memory_space<hbm>> -> memref<128x128xf32, #tpu.memory_space<hbm>>
      tpu.enqueue_dma source(%arg7 : memref<128x128xf32, #tpu.memory_space<vmem>>) target(%dma_start3A_196 : memref<128x128xf32, #tpu.memory_space<hbm>>) target_semaphore(%run_scoped3A : memref<!tpu.dma_semaphore, #tpu.memory_space<semaphore_mem>>)
      %dma_wait3A_197 = arith.constant 0 : i32
      %dma_wait3A_198 = tpu.memref_slice %arg4[%add3A_173, %dma_wait3A_197] : memref<65536x128xf32, #tpu.memory_space<hbm>> -> memref<128x128xf32, #tpu.memory_space<hbm>>
      %dma_wait3A_199 = arith.constant 0 : i32
      %dma_wait3A_200 = tpu.memref_slice %arg4[%add3A_173, %dma_wait3A_199] : memref<65536x128xf32, #tpu.memory_space<hbm>> -> memref<128x128xf32, #tpu.memory_space<hbm>>
      tpu.wait_dma2 semaphore(%run_scoped3A : memref<!tpu.dma_semaphore, #tpu.memory_space<semaphore_mem>>) src(%arg7 : memref<128x128xf32, #tpu.memory_space<vmem>>) dst(%dma_wait3A_200 : memref<128x128xf32, #tpu.memory_space<hbm>>)
      tpu.yield
    }) : () -> ()
    %dma_start3A_174 = arith.constant 1920 : i32
    %dma_start3A_175 = tpu.memref_slice %arg5[%dma_start3A_174] : memref<2048xi32, #tpu.memory_space<vmem>> -> memref<128xi32, #tpu.memory_space<vmem>>
    %dma_start3A_176 = arith.constant 0 : i32
    %dma_start3A_177 = arith.constant 0 : i32
    %dma_start3A_178 = tpu.memref_slice %arg2[%dma_start3A_176, %dma_start3A_177] : memref<8192x128xf32, #tpu.memory_space<hbm>> -> memref<8192x128xf32, #tpu.memory_space<hbm>>
    tpu.enqueue_indirect_dma source(%dma_start3A_178 : memref<8192x128xf32, #tpu.memory_space<hbm>>) target(%arg7 : memref<128x128xf32, #tpu.memory_space<vmem>>) offsets(%dma_start3A_175 : memref<128xi32, #tpu.memory_space<vmem>>) semaphore(%arg9 : memref<!tpu.dma_semaphore, #tpu.memory_space<semaphore_mem>>)
    %dma_wait3A_179 = arith.constant 1792 : i32
    %dma_wait3A_180 = tpu.memref_slice %arg5[%dma_wait3A_179] : memref<2048xi32, #tpu.memory_space<vmem>> -> memref<128xi32, #tpu.memory_space<vmem>>
    %dma_wait3A_181 = arith.constant 0 : i32
    %dma_wait3A_182 = arith.constant 0 : i32
    %dma_wait3A_183 = tpu.memref_slice %arg2[%dma_wait3A_181, %dma_wait3A_182] : memref<8192x128xf32, #tpu.memory_space<hbm>> -> memref<8192x128xf32, #tpu.memory_space<hbm>>
    tpu.wait_indirect_dma semaphore(%arg8 : memref<!tpu.dma_semaphore, #tpu.memory_space<semaphore_mem>>) src(%dma_wait3A_183 : memref<8192x128xf32, #tpu.memory_space<hbm>>) dst(%arg6 : memref<128x128xf32, #tpu.memory_space<vmem>>)
    %add3A_184 = arith.constant 1792 : i32
    %add3A_185 = arith.addi %mul3A_2, %add3A_184 : i32
    "tpu.region"() ({
      %run_scoped3A = tpu.sem_alloc : memref<!tpu.dma_semaphore, #tpu.memory_space<semaphore_mem>>
      %dma_start3A_193 = arith.constant 0 : i32
      %dma_start3A_194 = tpu.memref_slice %arg4[%add3A_185, %dma_start3A_193] : memref<65536x128xf32, #tpu.memory_space<hbm>> -> memref<128x128xf32, #tpu.memory_space<hbm>>
      %dma_start3A_195 = arith.constant 0 : i32
      %dma_start3A_196 = tpu.memref_slice %arg4[%add3A_185, %dma_start3A_195] : memref<65536x128xf32, #tpu.memory_space<hbm>> -> memref<128x128xf32, #tpu.memory_space<hbm>>
      tpu.enqueue_dma source(%arg6 : memref<128x128xf32, #tpu.memory_space<vmem>>) target(%dma_start3A_196 : memref<128x128xf32, #tpu.memory_space<hbm>>) target_semaphore(%run_scoped3A : memref<!tpu.dma_semaphore, #tpu.memory_space<semaphore_mem>>)
      %dma_wait3A_197 = arith.constant 0 : i32
      %dma_wait3A_198 = tpu.memref_slice %arg4[%add3A_185, %dma_wait3A_197] : memref<65536x128xf32, #tpu.memory_space<hbm>> -> memref<128x128xf32, #tpu.memory_space<hbm>>
      %dma_wait3A_199 = arith.constant 0 : i32
      %dma_wait3A_200 = tpu.memref_slice %arg4[%add3A_185, %dma_wait3A_199] : memref<65536x128xf32, #tpu.memory_space<hbm>> -> memref<128x128xf32, #tpu.memory_space<hbm>>
      tpu.wait_dma2 semaphore(%run_scoped3A : memref<!tpu.dma_semaphore, #tpu.memory_space<semaphore_mem>>) src(%arg6 : memref<128x128xf32, #tpu.memory_space<vmem>>) dst(%dma_wait3A_200 : memref<128x128xf32, #tpu.memory_space<hbm>>)
      tpu.yield
    }) : () -> ()
    %dma_wait3A_186 = arith.constant 1920 : i32
    %dma_wait3A_187 = tpu.memref_slice %arg5[%dma_wait3A_186] : memref<2048xi32, #tpu.memory_space<vmem>> -> memref<128xi32, #tpu.memory_space<vmem>>
    %dma_wait3A_188 = arith.constant 0 : i32
    %dma_wait3A_189 = arith.constant 0 : i32
    %dma_wait3A_190 = tpu.memref_slice %arg2[%dma_wait3A_188, %dma_wait3A_189] : memref<8192x128xf32, #tpu.memory_space<hbm>> -> memref<8192x128xf32, #tpu.memory_space<hbm>>
    tpu.wait_indirect_dma semaphore(%arg9 : memref<!tpu.dma_semaphore, #tpu.memory_space<semaphore_mem>>) src(%dma_wait3A_190 : memref<8192x128xf32, #tpu.memory_space<hbm>>) dst(%arg7 : memref<128x128xf32, #tpu.memory_space<vmem>>)
    %add3A_191 = arith.constant 1920 : i32
    %add3A_192 = arith.addi %mul3A_2, %add3A_191 : i32
    "tpu.region"() ({
      %run_scoped3A = tpu.sem_alloc : memref<!tpu.dma_semaphore, #tpu.memory_space<semaphore_mem>>
      %dma_start3A_193 = arith.constant 0 : i32
      %dma_start3A_194 = tpu.memref_slice %arg4[%add3A_192, %dma_start3A_193] : memref<65536x128xf32, #tpu.memory_space<hbm>> -> memref<128x128xf32, #tpu.memory_space<hbm>>
      %dma_start3A_195 = arith.constant 0 : i32
      %dma_start3A_196 = tpu.memref_slice %arg4[%add3A_192, %dma_start3A_195] : memref<65536x128xf32, #tpu.memory_space<hbm>> -> memref<128x128xf32, #tpu.memory_space<hbm>>
      tpu.enqueue_dma source(%arg7 : memref<128x128xf32, #tpu.memory_space<vmem>>) target(%dma_start3A_196 : memref<128x128xf32, #tpu.memory_space<hbm>>) target_semaphore(%run_scoped3A : memref<!tpu.dma_semaphore, #tpu.memory_space<semaphore_mem>>)
      %dma_wait3A_197 = arith.constant 0 : i32
      %dma_wait3A_198 = tpu.memref_slice %arg4[%add3A_192, %dma_wait3A_197] : memref<65536x128xf32, #tpu.memory_space<hbm>> -> memref<128x128xf32, #tpu.memory_space<hbm>>
      %dma_wait3A_199 = arith.constant 0 : i32
      %dma_wait3A_200 = tpu.memref_slice %arg4[%add3A_192, %dma_wait3A_199] : memref<65536x128xf32, #tpu.memory_space<hbm>> -> memref<128x128xf32, #tpu.memory_space<hbm>>
      tpu.wait_dma2 semaphore(%run_scoped3A : memref<!tpu.dma_semaphore, #tpu.memory_space<semaphore_mem>>) src(%arg7 : memref<128x128xf32, #tpu.memory_space<vmem>>) dst(%dma_wait3A_200 : memref<128x128xf32, #tpu.memory_space<hbm>>)
      tpu.yield
    }) : () -> ()
    return
  }
}

module attributes {stable_mosaic.version = 14 : i64} {
  func.func @_knn_body(%arg0: i32, %arg1: memref<256x16xf32, #tpu.memory_space<vmem>>, %arg2: memref<16x8192xf32, #tpu.memory_space<vmem>>, %arg3: memref<256x8xi32, #tpu.memory_space<vmem>>) attributes {dimension_semantics = [#tpu.dimension_semantics<arbitrary>], iteration_bounds = array<i64: 32>, scalar_prefetch = 0 : i64, scratch_operands = 0 : i64, tpu.core_type = #tpu.core_type<tc>, window_params = [{transform_indices = @transform_0, window_bounds = array<i64: 256, 16>}, {pipeline_mode = #tpu.pipeline_mode<synchronous>, transform_indices = @transform_1, window_bounds = array<i64: 16, 8192>}, {transform_indices = @transform_2, window_bounds = array<i64: 256, 8>}]} {
    %get3A = arith.constant 0 : index
    %get3A_0 = arith.constant 0 : index
    %get3A_1 = vector.load %arg1[%get3A, %get3A_0] : memref<256x16xf32, #tpu.memory_space<vmem>>, vector<256x16xf32>
    %mul3A = arith.constant -2.000000e+00 : f32
    %mul3A_2 = vector.broadcast %mul3A : f32 to vector<256x16xf32>
    %mul3A_3 = arith.mulf %mul3A_2, %get3A_1 : vector<256x16xf32>
    %get3A_4 = arith.constant 0 : index
    %get3A_5 = arith.constant 0 : index
    %get3A_6 = vector.load %arg2[%get3A_4, %get3A_5] : memref<16x8192xf32, #tpu.memory_space<vmem>>, vector<16x8192xf32>
    %dot_general3A = arith.constant dense<0.000000e+00> : vector<256x8192xf32>
    %dot_general3A_7 = tpu.matmul %mul3A_3, %get3A_6, %dot_general3A {dimension_numbers = #tpu.dot_dimension_numbers<[1], [0], [0], [1], [0, 0, 1, 1], [], []>, transpose_lhs_hint = false} : vector<256x16xf32>, vector<16x8192xf32>, vector<256x8192xf32> -> vector<256x8192xf32>
    %bitcast_convert_type3A = tpu.bitcast %dot_general3A_7 : vector<256x8192xf32> -> vector<256x8192xi32>
    %iota3A = tpu.iota {dimensions = array<i32: 1>} : vector<256x8192xi32>
    %and3A = arith.constant -8192 : i32
    %and3A_8 = vector.broadcast %and3A : i32 to vector<256x8192xi32>
    %and3A_9 = arith.andi %bitcast_convert_type3A, %and3A_8 : vector<256x8192xi32>
    %or3A = arith.ori %and3A_9, %iota3A : vector<256x8192xi32>
    %bitcast_convert_type3A_10 = tpu.bitcast %or3A : vector<256x8192xi32> -> vector<256x8192xf32>
    %slice3A = vector.extract_strided_slice %bitcast_convert_type3A_10 {offsets = [0, 0], sizes = [256, 512], strides = [1, 1]} : vector<256x8192xf32> to vector<256x512xf32>
    %slice3A_11 = vector.extract_strided_slice %bitcast_convert_type3A_10 {offsets = [0, 512], sizes = [256, 512], strides = [1, 1]} : vector<256x8192xf32> to vector<256x512xf32>
    %min3A = arith.minimumf %slice3A, %slice3A_11 : vector<256x512xf32>
    %slice3A_12 = vector.extract_strided_slice %bitcast_convert_type3A_10 {offsets = [0, 1024], sizes = [256, 512], strides = [1, 1]} : vector<256x8192xf32> to vector<256x512xf32>
    %min3A_13 = arith.minimumf %min3A, %slice3A_12 : vector<256x512xf32>
    %slice3A_14 = vector.extract_strided_slice %bitcast_convert_type3A_10 {offsets = [0, 1536], sizes = [256, 512], strides = [1, 1]} : vector<256x8192xf32> to vector<256x512xf32>
    %min3A_15 = arith.minimumf %min3A_13, %slice3A_14 : vector<256x512xf32>
    %slice3A_16 = vector.extract_strided_slice %bitcast_convert_type3A_10 {offsets = [0, 2048], sizes = [256, 512], strides = [1, 1]} : vector<256x8192xf32> to vector<256x512xf32>
    %min3A_17 = arith.minimumf %min3A_15, %slice3A_16 : vector<256x512xf32>
    %slice3A_18 = vector.extract_strided_slice %bitcast_convert_type3A_10 {offsets = [0, 2560], sizes = [256, 512], strides = [1, 1]} : vector<256x8192xf32> to vector<256x512xf32>
    %min3A_19 = arith.minimumf %min3A_17, %slice3A_18 : vector<256x512xf32>
    %slice3A_20 = vector.extract_strided_slice %bitcast_convert_type3A_10 {offsets = [0, 3072], sizes = [256, 512], strides = [1, 1]} : vector<256x8192xf32> to vector<256x512xf32>
    %min3A_21 = arith.minimumf %min3A_19, %slice3A_20 : vector<256x512xf32>
    %slice3A_22 = vector.extract_strided_slice %bitcast_convert_type3A_10 {offsets = [0, 3584], sizes = [256, 512], strides = [1, 1]} : vector<256x8192xf32> to vector<256x512xf32>
    %min3A_23 = arith.minimumf %min3A_21, %slice3A_22 : vector<256x512xf32>
    %slice3A_24 = vector.extract_strided_slice %bitcast_convert_type3A_10 {offsets = [0, 4096], sizes = [256, 512], strides = [1, 1]} : vector<256x8192xf32> to vector<256x512xf32>
    %min3A_25 = arith.minimumf %min3A_23, %slice3A_24 : vector<256x512xf32>
    %slice3A_26 = vector.extract_strided_slice %bitcast_convert_type3A_10 {offsets = [0, 4608], sizes = [256, 512], strides = [1, 1]} : vector<256x8192xf32> to vector<256x512xf32>
    %min3A_27 = arith.minimumf %min3A_25, %slice3A_26 : vector<256x512xf32>
    %slice3A_28 = vector.extract_strided_slice %bitcast_convert_type3A_10 {offsets = [0, 5120], sizes = [256, 512], strides = [1, 1]} : vector<256x8192xf32> to vector<256x512xf32>
    %min3A_29 = arith.minimumf %min3A_27, %slice3A_28 : vector<256x512xf32>
    %slice3A_30 = vector.extract_strided_slice %bitcast_convert_type3A_10 {offsets = [0, 5632], sizes = [256, 512], strides = [1, 1]} : vector<256x8192xf32> to vector<256x512xf32>
    %min3A_31 = arith.minimumf %min3A_29, %slice3A_30 : vector<256x512xf32>
    %slice3A_32 = vector.extract_strided_slice %bitcast_convert_type3A_10 {offsets = [0, 6144], sizes = [256, 512], strides = [1, 1]} : vector<256x8192xf32> to vector<256x512xf32>
    %min3A_33 = arith.minimumf %min3A_31, %slice3A_32 : vector<256x512xf32>
    %slice3A_34 = vector.extract_strided_slice %bitcast_convert_type3A_10 {offsets = [0, 6656], sizes = [256, 512], strides = [1, 1]} : vector<256x8192xf32> to vector<256x512xf32>
    %min3A_35 = arith.minimumf %min3A_33, %slice3A_34 : vector<256x512xf32>
    %slice3A_36 = vector.extract_strided_slice %bitcast_convert_type3A_10 {offsets = [0, 7168], sizes = [256, 512], strides = [1, 1]} : vector<256x8192xf32> to vector<256x512xf32>
    %min3A_37 = arith.minimumf %min3A_35, %slice3A_36 : vector<256x512xf32>
    %slice3A_38 = vector.extract_strided_slice %bitcast_convert_type3A_10 {offsets = [0, 7680], sizes = [256, 512], strides = [1, 1]} : vector<256x8192xf32> to vector<256x512xf32>
    %min3A_39 = arith.minimumf %min3A_37, %slice3A_38 : vector<256x512xf32>
    %reduce_min3A = arith.constant dense<0x7F800000> : vector<256xf32>
    %reduce_min3A_40 = vector.multi_reduction <minimumf>, %min3A_39, %reduce_min3A [1] : vector<256x512xf32> to vector<256xf32>
    %broadcast_in_dim3A = vector.shape_cast %reduce_min3A_40 : vector<256xf32> to vector<256x1xf32>
    %bitcast_convert_type3A_41 = tpu.bitcast %broadcast_in_dim3A : vector<256x1xf32> -> vector<256x1xi32>
    %and3A_42 = arith.constant 8191 : i32
    %and3A_43 = vector.broadcast %and3A_42 : i32 to vector<256x1xi32>
    %and3A_44 = arith.andi %bitcast_convert_type3A_41, %and3A_43 : vector<256x1xi32>
    %eq3A = vector.broadcast %broadcast_in_dim3A : vector<256x1xf32> to vector<256x512xf32>
    %eq3A_45 = arith.cmpf oeq, %min3A_39, %eq3A : vector<256x512xf32>
    %jit3A = arith.constant 0x7F800000 : f32
    %broadcast_in_dim3A_46 = vector.broadcast %jit3A : f32 to vector<256x512xf32>
    %select_n3A = arith.select %eq3A_45, %broadcast_in_dim3A_46, %min3A_39 : vector<256x512xi1>, vector<256x512xf32>
    %reduce_min3A_47 = arith.constant dense<0x7F800000> : vector<256xf32>
    %reduce_min3A_48 = vector.multi_reduction <minimumf>, %select_n3A, %reduce_min3A_47 [1] : vector<256x512xf32> to vector<256xf32>
    %broadcast_in_dim3A_49 = vector.shape_cast %reduce_min3A_48 : vector<256xf32> to vector<256x1xf32>
    %bitcast_convert_type3A_50 = tpu.bitcast %broadcast_in_dim3A_49 : vector<256x1xf32> -> vector<256x1xi32>
    %and3A_51 = arith.constant 8191 : i32
    %and3A_52 = vector.broadcast %and3A_51 : i32 to vector<256x1xi32>
    %and3A_53 = arith.andi %bitcast_convert_type3A_50, %and3A_52 : vector<256x1xi32>
    %eq3A_54 = vector.broadcast %broadcast_in_dim3A_49 : vector<256x1xf32> to vector<256x512xf32>
    %eq3A_55 = arith.cmpf oeq, %select_n3A, %eq3A_54 : vector<256x512xf32>
    %jit3A_56 = arith.constant 0x7F800000 : f32
    %broadcast_in_dim3A_57 = vector.broadcast %jit3A_56 : f32 to vector<256x512xf32>
    %select_n3A_58 = arith.select %eq3A_55, %broadcast_in_dim3A_57, %select_n3A : vector<256x512xi1>, vector<256x512xf32>
    %reduce_min3A_59 = arith.constant dense<0x7F800000> : vector<256xf32>
    %reduce_min3A_60 = vector.multi_reduction <minimumf>, %select_n3A_58, %reduce_min3A_59 [1] : vector<256x512xf32> to vector<256xf32>
    %broadcast_in_dim3A_61 = vector.shape_cast %reduce_min3A_60 : vector<256xf32> to vector<256x1xf32>
    %bitcast_convert_type3A_62 = tpu.bitcast %broadcast_in_dim3A_61 : vector<256x1xf32> -> vector<256x1xi32>
    %and3A_63 = arith.constant 8191 : i32
    %and3A_64 = vector.broadcast %and3A_63 : i32 to vector<256x1xi32>
    %and3A_65 = arith.andi %bitcast_convert_type3A_62, %and3A_64 : vector<256x1xi32>
    %eq3A_66 = vector.broadcast %broadcast_in_dim3A_61 : vector<256x1xf32> to vector<256x512xf32>
    %eq3A_67 = arith.cmpf oeq, %select_n3A_58, %eq3A_66 : vector<256x512xf32>
    %jit3A_68 = arith.constant 0x7F800000 : f32
    %broadcast_in_dim3A_69 = vector.broadcast %jit3A_68 : f32 to vector<256x512xf32>
    %select_n3A_70 = arith.select %eq3A_67, %broadcast_in_dim3A_69, %select_n3A_58 : vector<256x512xi1>, vector<256x512xf32>
    %reduce_min3A_71 = arith.constant dense<0x7F800000> : vector<256xf32>
    %reduce_min3A_72 = vector.multi_reduction <minimumf>, %select_n3A_70, %reduce_min3A_71 [1] : vector<256x512xf32> to vector<256xf32>
    %broadcast_in_dim3A_73 = vector.shape_cast %reduce_min3A_72 : vector<256xf32> to vector<256x1xf32>
    %bitcast_convert_type3A_74 = tpu.bitcast %broadcast_in_dim3A_73 : vector<256x1xf32> -> vector<256x1xi32>
    %and3A_75 = arith.constant 8191 : i32
    %and3A_76 = vector.broadcast %and3A_75 : i32 to vector<256x1xi32>
    %and3A_77 = arith.andi %bitcast_convert_type3A_74, %and3A_76 : vector<256x1xi32>
    %eq3A_78 = vector.broadcast %broadcast_in_dim3A_73 : vector<256x1xf32> to vector<256x512xf32>
    %eq3A_79 = arith.cmpf oeq, %select_n3A_70, %eq3A_78 : vector<256x512xf32>
    %jit3A_80 = arith.constant 0x7F800000 : f32
    %broadcast_in_dim3A_81 = vector.broadcast %jit3A_80 : f32 to vector<256x512xf32>
    %select_n3A_82 = arith.select %eq3A_79, %broadcast_in_dim3A_81, %select_n3A_70 : vector<256x512xi1>, vector<256x512xf32>
    %reduce_min3A_83 = arith.constant dense<0x7F800000> : vector<256xf32>
    %reduce_min3A_84 = vector.multi_reduction <minimumf>, %select_n3A_82, %reduce_min3A_83 [1] : vector<256x512xf32> to vector<256xf32>
    %broadcast_in_dim3A_85 = vector.shape_cast %reduce_min3A_84 : vector<256xf32> to vector<256x1xf32>
    %bitcast_convert_type3A_86 = tpu.bitcast %broadcast_in_dim3A_85 : vector<256x1xf32> -> vector<256x1xi32>
    %and3A_87 = arith.constant 8191 : i32
    %and3A_88 = vector.broadcast %and3A_87 : i32 to vector<256x1xi32>
    %and3A_89 = arith.andi %bitcast_convert_type3A_86, %and3A_88 : vector<256x1xi32>
    %eq3A_90 = vector.broadcast %broadcast_in_dim3A_85 : vector<256x1xf32> to vector<256x512xf32>
    %eq3A_91 = arith.cmpf oeq, %select_n3A_82, %eq3A_90 : vector<256x512xf32>
    %jit3A_92 = arith.constant 0x7F800000 : f32
    %broadcast_in_dim3A_93 = vector.broadcast %jit3A_92 : f32 to vector<256x512xf32>
    %select_n3A_94 = arith.select %eq3A_91, %broadcast_in_dim3A_93, %select_n3A_82 : vector<256x512xi1>, vector<256x512xf32>
    %reduce_min3A_95 = arith.constant dense<0x7F800000> : vector<256xf32>
    %reduce_min3A_96 = vector.multi_reduction <minimumf>, %select_n3A_94, %reduce_min3A_95 [1] : vector<256x512xf32> to vector<256xf32>
    %broadcast_in_dim3A_97 = vector.shape_cast %reduce_min3A_96 : vector<256xf32> to vector<256x1xf32>
    %bitcast_convert_type3A_98 = tpu.bitcast %broadcast_in_dim3A_97 : vector<256x1xf32> -> vector<256x1xi32>
    %and3A_99 = arith.constant 8191 : i32
    %and3A_100 = vector.broadcast %and3A_99 : i32 to vector<256x1xi32>
    %and3A_101 = arith.andi %bitcast_convert_type3A_98, %and3A_100 : vector<256x1xi32>
    %eq3A_102 = vector.broadcast %broadcast_in_dim3A_97 : vector<256x1xf32> to vector<256x512xf32>
    %eq3A_103 = arith.cmpf oeq, %select_n3A_94, %eq3A_102 : vector<256x512xf32>
    %jit3A_104 = arith.constant 0x7F800000 : f32
    %broadcast_in_dim3A_105 = vector.broadcast %jit3A_104 : f32 to vector<256x512xf32>
    %select_n3A_106 = arith.select %eq3A_103, %broadcast_in_dim3A_105, %select_n3A_94 : vector<256x512xi1>, vector<256x512xf32>
    %reduce_min3A_107 = arith.constant dense<0x7F800000> : vector<256xf32>
    %reduce_min3A_108 = vector.multi_reduction <minimumf>, %select_n3A_106, %reduce_min3A_107 [1] : vector<256x512xf32> to vector<256xf32>
    %broadcast_in_dim3A_109 = vector.shape_cast %reduce_min3A_108 : vector<256xf32> to vector<256x1xf32>
    %bitcast_convert_type3A_110 = tpu.bitcast %broadcast_in_dim3A_109 : vector<256x1xf32> -> vector<256x1xi32>
    %and3A_111 = arith.constant 8191 : i32
    %and3A_112 = vector.broadcast %and3A_111 : i32 to vector<256x1xi32>
    %and3A_113 = arith.andi %bitcast_convert_type3A_110, %and3A_112 : vector<256x1xi32>
    %eq3A_114 = vector.broadcast %broadcast_in_dim3A_109 : vector<256x1xf32> to vector<256x512xf32>
    %eq3A_115 = arith.cmpf oeq, %select_n3A_106, %eq3A_114 : vector<256x512xf32>
    %jit3A_116 = arith.constant 0x7F800000 : f32
    %broadcast_in_dim3A_117 = vector.broadcast %jit3A_116 : f32 to vector<256x512xf32>
    %select_n3A_118 = arith.select %eq3A_115, %broadcast_in_dim3A_117, %select_n3A_106 : vector<256x512xi1>, vector<256x512xf32>
    %reduce_min3A_119 = arith.constant dense<0x7F800000> : vector<256xf32>
    %reduce_min3A_120 = vector.multi_reduction <minimumf>, %select_n3A_118, %reduce_min3A_119 [1] : vector<256x512xf32> to vector<256xf32>
    %broadcast_in_dim3A_121 = vector.shape_cast %reduce_min3A_120 : vector<256xf32> to vector<256x1xf32>
    %bitcast_convert_type3A_122 = tpu.bitcast %broadcast_in_dim3A_121 : vector<256x1xf32> -> vector<256x1xi32>
    %and3A_123 = arith.constant 8191 : i32
    %and3A_124 = vector.broadcast %and3A_123 : i32 to vector<256x1xi32>
    %and3A_125 = arith.andi %bitcast_convert_type3A_122, %and3A_124 : vector<256x1xi32>
    %concatenate3A = tpu.concatenate %and3A_44, %and3A_53, %and3A_65, %and3A_77, %and3A_89, %and3A_101, %and3A_113, %and3A_125 in 1 : vector<256x1xi32>, vector<256x1xi32>, vector<256x1xi32>, vector<256x1xi32>, vector<256x1xi32>, vector<256x1xi32>, vector<256x1xi32>, vector<256x1xi32> -> vector<256x8xi32>
    %swap3A = arith.constant 0 : index
    %swap3A_126 = arith.constant 0 : index
    %swap3A_127 = vector.load %arg3[%swap3A, %swap3A_126] : memref<256x8xi32, #tpu.memory_space<vmem>>, vector<256x8xi32>
    tpu.vector_store %arg3[%swap3A, %swap3A_126], %concatenate3A {strides = array<i32>} : memref<256x8xi32, #tpu.memory_space<vmem>>, vector<256x8xi32>,
    return
  }
  func.func @transform_0(%arg0: i32) -> (i32, i32) {
    %c0_i32 = arith.constant 0 : i32
    %c0_i32_0 = arith.constant 0 : i32
    return %arg0, %c0_i32 : i32, i32
  }
  func.func @transform_1(%arg0: i32) -> (i32, i32) {
    %c0_i32 = arith.constant 0 : i32
    %c0_i32_0 = arith.constant 0 : i32
    %c0_i32_1 = arith.constant 0 : i32
    return %c0_i32, %c0_i32_0 : i32, i32
  }
  func.func @transform_2(%arg0: i32) -> (i32, i32) {
    %c0_i32 = arith.constant 0 : i32
    %c0_i32_0 = arith.constant 0 : i32
    return %arg0, %c0_i32 : i32, i32
  }
}

module attributes {stable_mosaic.version = 14 : i64} {
  func.func @_mlp_body(%arg0: i32, %arg1: i32, %arg2: memref<8x256x128xf32, #tpu.memory_space<vmem>>, %arg3: memref<256x8xf32, #tpu.memory_space<vmem>>, %arg4: memref<256x64xf32, #tpu.memory_space<vmem>>, %arg5: memref<8x128xf32, #tpu.memory_space<vmem>>, %arg6: memref<64x128xf32, #tpu.memory_space<vmem>>, %arg7: memref<1x128xf32, #tpu.memory_space<vmem>>, %arg8: memref<1x128xf32, #tpu.memory_space<vmem>>, %arg9: memref<128x64xf32, #tpu.memory_space<vmem>>, %arg10: memref<1x64xf32, #tpu.memory_space<vmem>>, %arg11: memref<1x64xf32, #tpu.memory_space<vmem>>, %arg12: memref<1x1xf32, #tpu.memory_space<vmem>>, %arg13: memref<64x256xf32, #tpu.memory_space<vmem>>, %arg14: memref<1x256xf32, #tpu.memory_space<vmem>>, %arg15: memref<256x64xf32, #tpu.memory_space<vmem>>, %arg16: memref<1x64xf32, #tpu.memory_space<vmem>>, %arg17: memref<256x64xf32, #tpu.memory_space<vmem>>, %arg18: memref<256x64xf32, #tpu.memory_space<vmem>>, %arg19: memref<8192x8xf32, #tpu.memory_space<vmem>>, %arg20: memref<1x8xf32, #tpu.memory_space<vmem>>, %arg21: memref<1x8xf32, #tpu.memory_space<vmem>>) attributes {dimension_semantics = [#tpu.dimension_semantics<arbitrary>, #tpu.dimension_semantics<arbitrary>], iteration_bounds = array<i64: 2, 32>, scalar_prefetch = 0 : i64, scratch_operands = 3 : i64, tpu.core_type = #tpu.core_type<tc>, window_params = [{transform_indices = @transform_0, window_bounds = array<i64: 8, 256, 128>}, {transform_indices = @transform_1, window_bounds = array<i64: 256, 8>}, {transform_indices = @transform_2, window_bounds = array<i64: 256, 64>}, {pipeline_mode = #tpu.pipeline_mode<synchronous>, transform_indices = @transform_3, window_bounds = array<i64: 8, 128>}, {pipeline_mode = #tpu.pipeline_mode<synchronous>, transform_indices = @transform_4, window_bounds = array<i64: 64, 128>}, {pipeline_mode = #tpu.pipeline_mode<synchronous>, transform_indices = @transform_5, window_bounds = array<i64: 1, 128>}, {pipeline_mode = #tpu.pipeline_mode<synchronous>, transform_indices = @transform_6, window_bounds = array<i64: 1, 128>}, {pipeline_mode = #tpu.pipeline_mode<synchronous>, transform_indices = @transform_7, window_bounds = array<i64: 128, 64>}, {pipeline_mode = #tpu.pipeline_mode<synchronous>, transform_indices = @transform_8, window_bounds = array<i64: 1, 64>}, {pipeline_mode = #tpu.pipeline_mode<synchronous>, transform_indices = @transform_9, window_bounds = array<i64: 1, 64>}, {pipeline_mode = #tpu.pipeline_mode<synchronous>, transform_indices = @transform_10, window_bounds = array<i64: 1, 1>}, {pipeline_mode = #tpu.pipeline_mode<synchronous>, transform_indices = @transform_11, window_bounds = array<i64: 64, 256>}, {pipeline_mode = #tpu.pipeline_mode<synchronous>, transform_indices = @transform_12, window_bounds = array<i64: 1, 256>}, {pipeline_mode = #tpu.pipeline_mode<synchronous>, transform_indices = @transform_13, window_bounds = array<i64: 256, 64>}, {pipeline_mode = #tpu.pipeline_mode<synchronous>, transform_indices = @transform_14, window_bounds = array<i64: 1, 64>}, {transform_indices = @transform_15, window_bounds = array<i64: 256, 64>}, {transform_indices = @transform_16, window_bounds = array<i64: 256, 64>}]} {
    %mul3A = arith.constant 256 : i32
    %mul3A_0 = arith.muli %arg1, %mul3A : i32
    %multiple_of3A = tpu.assume_multiple %mul3A_0, 256 : i32
    %eq3A = arith.constant 0 : i32
    %eq3A_1 = arith.cmpi eq, %arg0, %eq3A : i32
    %convert_element_type3A = arith.extui %eq3A_1 : i1 to i32
    %cond3A = arith.constant 0 : i32
    %cond3A_2 = arith.cmpi ne, %convert_element_type3A, %cond3A : i32
    scf.if %cond3A_2 {
      %get3A = arith.constant 0 : index
      %get3A_8 = arith.constant 0 : index
      %get3A_9 = vector.load %arg3[%get3A, %get3A_8] : memref<256x8xf32, #tpu.memory_space<vmem>>, vector<256x8xf32>
      %get3A_10 = arith.constant 0 : index
      %get3A_11 = arith.constant 0 : index
      %get3A_12 = arith.constant 0 : index
      %get3A_13 = vector.load %arg2[%get3A_10, %get3A_11, %get3A_12] : memref<8x256x128xf32, #tpu.memory_space<vmem>>, vector<1x256x128xf32>
      %get3A_14 = vector.shape_cast %get3A_13 : vector<1x256x128xf32> to vector<256x128xf32>
      %get3A_15 = arith.constant 1 : index
      %get3A_16 = arith.constant 0 : index
      %get3A_17 = arith.constant 0 : index
      %get3A_18 = vector.load %arg2[%get3A_15, %get3A_16, %get3A_17] : memref<8x256x128xf32, #tpu.memory_space<vmem>>, vector<1x256x128xf32>
      %get3A_19 = vector.shape_cast %get3A_18 : vector<1x256x128xf32> to vector<256x128xf32>
      %get3A_20 = arith.constant 2 : index
      %get3A_21 = arith.constant 0 : index
      %get3A_22 = arith.constant 0 : index
      %get3A_23 = vector.load %arg2[%get3A_20, %get3A_21, %get3A_22] : memref<8x256x128xf32, #tpu.memory_space<vmem>>, vector<1x256x128xf32>
      %get3A_24 = vector.shape_cast %get3A_23 : vector<1x256x128xf32> to vector<256x128xf32>
      %get3A_25 = arith.constant 3 : index
      %get3A_26 = arith.constant 0 : index
      %get3A_27 = arith.constant 0 : index
      %get3A_28 = vector.load %arg2[%get3A_25, %get3A_26, %get3A_27] : memref<8x256x128xf32, #tpu.memory_space<vmem>>, vector<1x256x128xf32>
      %get3A_29 = vector.shape_cast %get3A_28 : vector<1x256x128xf32> to vector<256x128xf32>
      %get3A_30 = arith.constant 4 : index
      %get3A_31 = arith.constant 0 : index
      %get3A_32 = arith.constant 0 : index
      %get3A_33 = vector.load %arg2[%get3A_30, %get3A_31, %get3A_32] : memref<8x256x128xf32, #tpu.memory_space<vmem>>, vector<1x256x128xf32>
      %get3A_34 = vector.shape_cast %get3A_33 : vector<1x256x128xf32> to vector<256x128xf32>
      %get3A_35 = arith.constant 5 : index
      %get3A_36 = arith.constant 0 : index
      %get3A_37 = arith.constant 0 : index
      %get3A_38 = vector.load %arg2[%get3A_35, %get3A_36, %get3A_37] : memref<8x256x128xf32, #tpu.memory_space<vmem>>, vector<1x256x128xf32>
      %get3A_39 = vector.shape_cast %get3A_38 : vector<1x256x128xf32> to vector<256x128xf32>
      %get3A_40 = arith.constant 6 : index
      %get3A_41 = arith.constant 0 : index
      %get3A_42 = arith.constant 0 : index
      %get3A_43 = vector.load %arg2[%get3A_40, %get3A_41, %get3A_42] : memref<8x256x128xf32, #tpu.memory_space<vmem>>, vector<1x256x128xf32>
      %get3A_44 = vector.shape_cast %get3A_43 : vector<1x256x128xf32> to vector<256x128xf32>
      %get3A_45 = arith.constant 7 : index
      %get3A_46 = arith.constant 0 : index
      %get3A_47 = arith.constant 0 : index
      %get3A_48 = vector.load %arg2[%get3A_45, %get3A_46, %get3A_47] : memref<8x256x128xf32, #tpu.memory_space<vmem>>, vector<1x256x128xf32>
      %get3A_49 = vector.shape_cast %get3A_48 : vector<1x256x128xf32> to vector<256x128xf32>
      %concatenate3A = tpu.concatenate %get3A_14, %get3A_19, %get3A_24, %get3A_29, %get3A_34, %get3A_39, %get3A_44, %get3A_49 in 0 : vector<256x128xf32>, vector<256x128xf32>, vector<256x128xf32>, vector<256x128xf32>, vector<256x128xf32>, vector<256x128xf32>, vector<256x128xf32>, vector<256x128xf32> -> vector<2048x128xf32>
      %concatenate3A_50 = tpu.concatenate %get3A_9, %get3A_9, %get3A_9, %get3A_9, %get3A_9, %get3A_9, %get3A_9, %get3A_9 in 0 : vector<256x8xf32>, vector<256x8xf32>, vector<256x8xf32>, vector<256x8xf32>, vector<256x8xf32>, vector<256x8xf32>, vector<256x8xf32>, vector<256x8xf32> -> vector<2048x8xf32>
      %slice3A = vector.extract_strided_slice %concatenate3A {offsets = [0, 64], sizes = [2048, 8], strides = [1, 1]} : vector<2048x128xf32> to vector<2048x8xf32>
      %sub3A = arith.subf %slice3A, %concatenate3A_50 : vector<2048x8xf32>
      %mul3A_51 = arith.mulf %sub3A, %sub3A : vector<2048x8xf32>
      %reduce_sum3A = arith.constant dense<0.000000e+00> : vector<2048xf32>
      %reduce_sum3A_52 = vector.multi_reduction <add>, %mul3A_51, %reduce_sum3A [1] : vector<2048x8xf32> to vector<2048xf32>
      %broadcast_in_dim3A = vector.shape_cast %reduce_sum3A_52 : vector<2048xf32> to vector<2048x1xf32>
      %sqrt3A = math.sqrt %broadcast_in_dim3A : vector<2048x1xf32>
      %max3A = arith.constant 1.000000e-10 : f32
      %max3A_53 = vector.broadcast %max3A : f32 to vector<2048x1xf32>
      %max3A_54 = arith.maximumf %sqrt3A, %max3A_53 : vector<2048x1xf32>
      %div3A = arith.constant 1.000000e+00 : f32
      %div3A_55 = vector.broadcast %div3A : f32 to vector<2048x1xf32>
      %div3A_56 = arith.divf %div3A_55, %max3A_54 : vector<2048x1xf32>
      %broadcast_in_dim3A_57 = arith.constant 0.000000e+00 : f32
      %broadcast_in_dim3A_58 = vector.broadcast %broadcast_in_dim3A_57 : f32 to vector<256x1xf32>
      %slice3A_59 = vector.extract_strided_slice %div3A_56 {offsets = [0, 0], sizes = [256, 1], strides = [1, 1]} : vector<2048x1xf32> to vector<256x1xf32>
      %add3A = arith.addf %broadcast_in_dim3A_58, %slice3A_59 : vector<256x1xf32>
      %slice3A_60 = vector.extract_strided_slice %div3A_56 {offsets = [256, 0], sizes = [256, 1], strides = [1, 1]} : vector<2048x1xf32> to vector<256x1xf32>
      %add3A_61 = arith.addf %add3A, %slice3A_60 : vector<256x1xf32>
      %slice3A_62 = vector.extract_strided_slice %div3A_56 {offsets = [512, 0], sizes = [256, 1], strides = [1, 1]} : vector<2048x1xf32> to vector<256x1xf32>
      %add3A_63 = arith.addf %add3A_61, %slice3A_62 : vector<256x1xf32>
      %slice3A_64 = vector.extract_strided_slice %div3A_56 {offsets = [768, 0], sizes = [256, 1], strides = [1, 1]} : vector<2048x1xf32> to vector<256x1xf32>
      %add3A_65 = arith.addf %add3A_63, %slice3A_64 : vector<256x1xf32>
      %slice3A_66 = vector.extract_strided_slice %div3A_56 {offsets = [1024, 0], sizes = [256, 1], strides = [1, 1]} : vector<2048x1xf32> to vector<256x1xf32>
      %add3A_67 = arith.addf %add3A_65, %slice3A_66 : vector<256x1xf32>
      %slice3A_68 = vector.extract_strided_slice %div3A_56 {offsets = [1280, 0], sizes = [256, 1], strides = [1, 1]} : vector<2048x1xf32> to vector<256x1xf32>
      %add3A_69 = arith.addf %add3A_67, %slice3A_68 : vector<256x1xf32>
      %slice3A_70 = vector.extract_strided_slice %div3A_56 {offsets = [1536, 0], sizes = [256, 1], strides = [1, 1]} : vector<2048x1xf32> to vector<256x1xf32>
      %add3A_71 = arith.addf %add3A_69, %slice3A_70 : vector<256x1xf32>
      %slice3A_72 = vector.extract_strided_slice %div3A_56 {offsets = [1792, 0], sizes = [256, 1], strides = [1, 1]} : vector<2048x1xf32> to vector<256x1xf32>
      %add3A_73 = arith.addf %add3A_71, %slice3A_72 : vector<256x1xf32>
      %div3A_74 = arith.constant 1.000000e+00 : f32
      %div3A_75 = vector.broadcast %div3A_74 : f32 to vector<256x1xf32>
      %div3A_76 = arith.divf %div3A_75, %add3A_73 : vector<256x1xf32>
      %concatenate3A_77 = tpu.concatenate %div3A_76, %div3A_76, %div3A_76, %div3A_76, %div3A_76, %div3A_76, %div3A_76, %div3A_76 in 0 : vector<256x1xf32>, vector<256x1xf32>, vector<256x1xf32>, vector<256x1xf32>, vector<256x1xf32>, vector<256x1xf32>, vector<256x1xf32>, vector<256x1xf32> -> vector<2048x1xf32>
      %mul3A_78 = arith.mulf %div3A_56, %concatenate3A_77 : vector<2048x1xf32>
      %slice3A_79 = vector.extract_strided_slice %concatenate3A {offsets = [0, 0], sizes = [2048, 64], strides = [1, 1]} : vector<2048x128xf32> to vector<2048x64xf32>
      %get3A_80 = arith.constant 0 : index
      %get3A_81 = arith.constant 0 : index
      %get3A_82 = vector.load %arg5[%get3A_80, %get3A_81] : memref<8x128xf32, #tpu.memory_space<vmem>>, vector<8x128xf32>
      %dot_general3A = arith.constant dense<0.000000e+00> : vector<2048x128xf32>
      %dot_general3A_83 = tpu.matmul %sub3A, %get3A_82, %dot_general3A {dimension_numbers = #tpu.dot_dimension_numbers<[1], [0], [0], [1], [0, 0, 1, 1], [], []>, transpose_lhs_hint = false} : vector<2048x8xf32>, vector<8x128xf32>, vector<2048x128xf32> -> vector<2048x128xf32>
      %get3A_84 = arith.constant 0 : index
      %get3A_85 = arith.constant 0 : index
      %get3A_86 = vector.load %arg6[%get3A_84, %get3A_85] : memref<64x128xf32, #tpu.memory_space<vmem>>, vector<64x128xf32>
      %dot_general3A_87 = arith.constant dense<0.000000e+00> : vector<2048x128xf32>
      %dot_general3A_88 = tpu.matmul %slice3A_79, %get3A_86, %dot_general3A_87 {dimension_numbers = #tpu.dot_dimension_numbers<[1], [0], [0], [1], [0, 0, 1, 1], [], []>, transpose_lhs_hint = false} : vector<2048x64xf32>, vector<64x128xf32>, vector<2048x128xf32> -> vector<2048x128xf32>
      %add3A_89 = arith.addf %dot_general3A_83, %dot_general3A_88 : vector<2048x128xf32>
      %get3A_90 = arith.constant 0 : index
      %get3A_91 = arith.constant 0 : index
      %get3A_92 = vector.load %arg7[%get3A_90, %get3A_91] : memref<1x128xf32, #tpu.memory_space<vmem>>, vector<1x128xf32>
      %mul3A_93 = vector.broadcast %mul3A_78 : vector<2048x1xf32> to vector<2048x128xf32>
      %mul3A_94 = vector.broadcast %get3A_92 : vector<1x128xf32> to vector<2048x128xf32>
      %mul3A_95 = arith.mulf %mul3A_93, %mul3A_94 : vector<2048x128xf32>
      %add3A_96 = arith.addf %add3A_89, %mul3A_95 : vector<2048x128xf32>
      %get3A_97 = arith.constant 0 : index
      %get3A_98 = arith.constant 0 : index
      %get3A_99 = vector.load %arg8[%get3A_97, %get3A_98] : memref<1x128xf32, #tpu.memory_space<vmem>>, vector<1x128xf32>
      %add3A_100 = vector.broadcast %get3A_99 : vector<1x128xf32> to vector<2048x128xf32>
      %add3A_101 = arith.addf %add3A_96, %add3A_100 : vector<2048x128xf32>
      %max3A_102 = arith.constant 0.000000e+00 : f32
      %max3A_103 = vector.broadcast %max3A_102 : f32 to vector<2048x128xf32>
      %max3A_104 = arith.maximumf %add3A_101, %max3A_103 : vector<2048x128xf32>
      %get3A_105 = arith.constant 0 : index
      %get3A_106 = arith.constant 0 : index
      %get3A_107 = vector.load %arg9[%get3A_105, %get3A_106] : memref<128x64xf32, #tpu.memory_space<vmem>>, vector<128x64xf32>
      %dot_general3A_108 = arith.constant dense<0.000000e+00> : vector<2048x64xf32>
      %dot_general3A_109 = tpu.matmul %max3A_104, %get3A_107, %dot_general3A_108 {dimension_numbers = #tpu.dot_dimension_numbers<[1], [0], [0], [1], [0, 0, 1, 1], [], []>, transpose_lhs_hint = false} : vector<2048x128xf32>, vector<128x64xf32>, vector<2048x64xf32> -> vector<2048x64xf32>
      %get3A_110 = arith.constant 0 : index
      %get3A_111 = arith.constant 0 : index
      %get3A_112 = vector.load %arg10[%get3A_110, %get3A_111] : memref<1x64xf32, #tpu.memory_space<vmem>>, vector<1x64xf32>
      %add3A_113 = vector.broadcast %get3A_112 : vector<1x64xf32> to vector<2048x64xf32>
      %add3A_114 = arith.addf %dot_general3A_109, %add3A_113 : vector<2048x64xf32>
      %max3A_115 = arith.constant 0.000000e+00 : f32
      %max3A_116 = vector.broadcast %max3A_115 : f32 to vector<2048x64xf32>
      %max3A_117 = arith.maximumf %add3A_114, %max3A_116 : vector<2048x64xf32>
      %get3A_118 = arith.constant 0 : index
      %get3A_119 = arith.constant 0 : index
      %get3A_120 = vector.load %arg11[%get3A_118, %get3A_119] : memref<1x64xf32, #tpu.memory_space<vmem>>, vector<1x64xf32>
      %mul3A_121 = vector.broadcast %get3A_120 : vector<1x64xf32> to vector<2048x64xf32>
      %mul3A_122 = arith.mulf %max3A_117, %mul3A_121 : vector<2048x64xf32>
      %reduce_sum3A_123 = arith.constant dense<0.000000e+00> : vector<2048xf32>
      %reduce_sum3A_124 = vector.multi_reduction <add>, %mul3A_122, %reduce_sum3A_123 [1] : vector<2048x64xf32> to vector<2048xf32>
      %broadcast_in_dim3A_125 = vector.shape_cast %reduce_sum3A_124 : vector<2048xf32> to vector<2048x1xf32>
      %get3A_126 = arith.constant 0 : index
      %get3A_127 = arith.constant 0 : index
      %get3A_128 = vector.load %arg12[%get3A_126, %get3A_127] : memref<1x1xf32, #tpu.memory_space<vmem>>, vector<1x1xf32>
      %add3A_129 = vector.broadcast %get3A_128 : vector<1x1xf32> to vector<2048x1xf32>
      %add3A_130 = arith.addf %broadcast_in_dim3A_125, %add3A_129 : vector<2048x1xf32>
      %slice3A_131 = vector.extract_strided_slice %add3A_130 {offsets = [0, 0], sizes = [256, 1], strides = [1, 1]} : vector<2048x1xf32> to vector<256x1xf32>
      %slice3A_132 = vector.extract_strided_slice %add3A_130 {offsets = [256, 0], sizes = [256, 1], strides = [1, 1]} : vector<2048x1xf32> to vector<256x1xf32>
      %slice3A_133 = vector.extract_strided_slice %add3A_130 {offsets = [512, 0], sizes = [256, 1], strides = [1, 1]} : vector<2048x1xf32> to vector<256x1xf32>
      %slice3A_134 = vector.extract_strided_slice %add3A_130 {offsets = [768, 0], sizes = [256, 1], strides = [1, 1]} : vector<2048x1xf32> to vector<256x1xf32>
      %slice3A_135 = vector.extract_strided_slice %add3A_130 {offsets = [1024, 0], sizes = [256, 1], strides = [1, 1]} : vector<2048x1xf32> to vector<256x1xf32>
      %slice3A_136 = vector.extract_strided_slice %add3A_130 {offsets = [1280, 0], sizes = [256, 1], strides = [1, 1]} : vector<2048x1xf32> to vector<256x1xf32>
      %slice3A_137 = vector.extract_strided_slice %add3A_130 {offsets = [1536, 0], sizes = [256, 1], strides = [1, 1]} : vector<2048x1xf32> to vector<256x1xf32>
      %slice3A_138 = vector.extract_strided_slice %add3A_130 {offsets = [1792, 0], sizes = [256, 1], strides = [1, 1]} : vector<2048x1xf32> to vector<256x1xf32>
      %concatenate3A_139 = tpu.concatenate %slice3A_131, %slice3A_132, %slice3A_133, %slice3A_134, %slice3A_135, %slice3A_136, %slice3A_137, %slice3A_138 in 1 : vector<256x1xf32>, vector<256x1xf32>, vector<256x1xf32>, vector<256x1xf32>, vector<256x1xf32>, vector<256x1xf32>, vector<256x1xf32>, vector<256x1xf32> -> vector<256x8xf32>
      %swap3A = arith.index_cast %multiple_of3A : i32 to index
      %swap3A_140 = arith.constant 0 : index
      %swap3A_141 = vector.load %arg19[%swap3A, %swap3A_140] : memref<8192x8xf32, #tpu.memory_space<vmem>>, vector<256x8xf32>
      tpu.vector_store %arg19[%swap3A, %swap3A_140], %concatenate3A_139 {strides = array<i32>} : memref<8192x8xf32, #tpu.memory_space<vmem>>, vector<256x8xf32>,
      %eq3A_142 = arith.constant 0 : i32
      %eq3A_143 = arith.cmpi eq, %arg1, %eq3A_142 : i32
      %convert_element_type3A_144 = arith.extui %eq3A_143 : i1 to i32
      %cond3A_145 = arith.constant 0 : i32
      %cond3A_146 = arith.cmpi ne, %convert_element_type3A_144, %cond3A_145 : i32
      scf.if %cond3A_146 {
        %broadcast_in_dim3A_171 = arith.constant 0xFF800000 : f32
        %broadcast_in_dim3A_172 = vector.broadcast %broadcast_in_dim3A_171 : f32 to vector<1x8xf32>
        %swap3A_173 = arith.constant 0 : index
        %swap3A_174 = arith.constant 0 : index
        %swap3A_175 = vector.load %arg20[%swap3A_173, %swap3A_174] : memref<1x8xf32, #tpu.memory_space<vmem>>, vector<1x8xf32>
        tpu.vector_store %arg20[%swap3A_173, %swap3A_174], %broadcast_in_dim3A_172 {strides = array<i32>} : memref<1x8xf32, #tpu.memory_space<vmem>>, vector<1x8xf32>,
        %broadcast_in_dim3A_176 = arith.constant 0.000000e+00 : f32
        %broadcast_in_dim3A_177 = vector.broadcast %broadcast_in_dim3A_176 : f32 to vector<1x8xf32>
        %swap3A_178 = arith.constant 0 : index
        %swap3A_179 = arith.constant 0 : index
        %swap3A_180 = vector.load %arg21[%swap3A_178, %swap3A_179] : memref<1x8xf32, #tpu.memory_space<vmem>>, vector<1x8xf32>
        tpu.vector_store %arg21[%swap3A_178, %swap3A_179], %broadcast_in_dim3A_177 {strides = array<i32>} : memref<1x8xf32, #tpu.memory_space<vmem>>, vector<1x8xf32>,
      } else {
      }
      %reduce_max3A = arith.constant dense<0xFF800000> : vector<8xf32>
      %reduce_max3A_147 = vector.multi_reduction <maximumf>, %concatenate3A_139, %reduce_max3A [0] : vector<256x8xf32> to vector<8xf32>
      %broadcast_in_dim3A_148 = vector.shape_cast %reduce_max3A_147 : vector<8xf32> to vector<1x8xf32>
      %get3A_149 = arith.constant 0 : index
      %get3A_150 = arith.constant 0 : index
      %get3A_151 = vector.load %arg20[%get3A_149, %get3A_150] : memref<1x8xf32, #tpu.memory_space<vmem>>, vector<1x8xf32>
      %max3A_152 = arith.maximumf %get3A_151, %broadcast_in_dim3A_148 : vector<1x8xf32>
      %get3A_153 = arith.constant 0 : index
      %get3A_154 = arith.constant 0 : index
      %get3A_155 = vector.load %arg21[%get3A_153, %get3A_154] : memref<1x8xf32, #tpu.memory_space<vmem>>, vector<1x8xf32>
      %sub3A_156 = arith.subf %get3A_151, %max3A_152 : vector<1x8xf32>
      %exp3A = math.exp %sub3A_156 : vector<1x8xf32>
      %mul3A_157 = arith.mulf %get3A_155, %exp3A : vector<1x8xf32>
      %sub3A_158 = vector.broadcast %max3A_152 : vector<1x8xf32> to vector<256x8xf32>
      %sub3A_159 = arith.subf %concatenate3A_139, %sub3A_158 : vector<256x8xf32>
      %exp3A_160 = math.exp %sub3A_159 : vector<256x8xf32>
      %reduce_sum3A_161 = arith.constant dense<0.000000e+00> : vector<8xf32>
      %reduce_sum3A_162 = vector.multi_reduction <add>, %exp3A_160, %reduce_sum3A_161 [0] : vector<256x8xf32> to vector<8xf32>
      %broadcast_in_dim3A_163 = vector.shape_cast %reduce_sum3A_162 : vector<8xf32> to vector<1x8xf32>
      %add3A_164 = arith.addf %mul3A_157, %broadcast_in_dim3A_163 : vector<1x8xf32>
      %swap3A_165 = arith.constant 0 : index
      %swap3A_166 = arith.constant 0 : index
      %swap3A_167 = vector.load %arg21[%swap3A_165, %swap3A_166] : memref<1x8xf32, #tpu.memory_space<vmem>>, vector<1x8xf32>
      tpu.vector_store %arg21[%swap3A_165, %swap3A_166], %add3A_164 {strides = array<i32>} : memref<1x8xf32, #tpu.memory_space<vmem>>, vector<1x8xf32>,
      %swap3A_168 = arith.constant 0 : index
      %swap3A_169 = arith.constant 0 : index
      %swap3A_170 = vector.load %arg20[%swap3A_168, %swap3A_169] : memref<1x8xf32, #tpu.memory_space<vmem>>, vector<1x8xf32>
      tpu.vector_store %arg20[%swap3A_168, %swap3A_169], %max3A_152 {strides = array<i32>} : memref<1x8xf32, #tpu.memory_space<vmem>>, vector<1x8xf32>,
    } else {
    }
    %eq3A_3 = arith.constant 1 : i32
    %eq3A_4 = arith.cmpi eq, %arg0, %eq3A_3 : i32
    %convert_element_type3A_5 = arith.extui %eq3A_4 : i1 to i32
    %cond3A_6 = arith.constant 0 : i32
    %cond3A_7 = arith.cmpi ne, %convert_element_type3A_5, %cond3A_6 : i32
    scf.if %cond3A_7 {
      %get3A = arith.index_cast %multiple_of3A : i32 to index
      %get3A_8 = arith.constant 0 : index
      %get3A_9 = vector.load %arg19[%get3A, %get3A_8] : memref<8192x8xf32, #tpu.memory_space<vmem>>, vector<256x8xf32>
      %get3A_10 = arith.constant 0 : index
      %get3A_11 = arith.constant 0 : index
      %get3A_12 = vector.load %arg20[%get3A_10, %get3A_11] : memref<1x8xf32, #tpu.memory_space<vmem>>, vector<1x8xf32>
      %sub3A = vector.broadcast %get3A_12 : vector<1x8xf32> to vector<256x8xf32>
      %sub3A_13 = arith.subf %get3A_9, %sub3A : vector<256x8xf32>
      %exp3A = math.exp %sub3A_13 : vector<256x8xf32>
      %get3A_14 = arith.constant 0 : index
      %get3A_15 = arith.constant 0 : index
      %get3A_16 = vector.load %arg21[%get3A_14, %get3A_15] : memref<1x8xf32, #tpu.memory_space<vmem>>, vector<1x8xf32>
      %div3A = vector.broadcast %get3A_16 : vector<1x8xf32> to vector<256x8xf32>
      %div3A_17 = arith.divf %exp3A, %div3A : vector<256x8xf32>
      %broadcast_in_dim3A = arith.constant 0.000000e+00 : f32
      %broadcast_in_dim3A_18 = vector.broadcast %broadcast_in_dim3A : f32 to vector<256x64xf32>
      %slice3A = vector.extract_strided_slice %div3A_17 {offsets = [0, 0], sizes = [256, 1], strides = [1, 1]} : vector<256x8xf32> to vector<256x1xf32>
      %get3A_19 = arith.constant 0 : index
      %get3A_20 = arith.constant 0 : index
      %get3A_21 = arith.constant 0 : index
      %get3A_22 = vector.load %arg2[%get3A_19, %get3A_20, %get3A_21] : memref<8x256x128xf32, #tpu.memory_space<vmem>>, vector<1x256x128xf32>
      %get3A_23 = vector.shape_cast %get3A_22 : vector<1x256x128xf32> to vector<256x128xf32>
      %slice3A_24 = vector.extract_strided_slice %get3A_23 {offsets = [0, 0], sizes = [256, 64], strides = [1, 1]} : vector<256x128xf32> to vector<256x64xf32>
      %mul3A_25 = vector.broadcast %slice3A : vector<256x1xf32> to vector<256x64xf32>
      %mul3A_26 = arith.mulf %mul3A_25, %slice3A_24 : vector<256x64xf32>
      %add3A = arith.addf %broadcast_in_dim3A_18, %mul3A_26 : vector<256x64xf32>
      %slice3A_27 = vector.extract_strided_slice %div3A_17 {offsets = [0, 1], sizes = [256, 1], strides = [1, 1]} : vector<256x8xf32> to vector<256x1xf32>
      %get3A_28 = arith.constant 1 : index
      %get3A_29 = arith.constant 0 : index
      %get3A_30 = arith.constant 0 : index
      %get3A_31 = vector.load %arg2[%get3A_28, %get3A_29, %get3A_30] : memref<8x256x128xf32, #tpu.memory_space<vmem>>, vector<1x256x128xf32>
      %get3A_32 = vector.shape_cast %get3A_31 : vector<1x256x128xf32> to vector<256x128xf32>
      %slice3A_33 = vector.extract_strided_slice %get3A_32 {offsets = [0, 0], sizes = [256, 64], strides = [1, 1]} : vector<256x128xf32> to vector<256x64xf32>
      %mul3A_34 = vector.broadcast %slice3A_27 : vector<256x1xf32> to vector<256x64xf32>
      %mul3A_35 = arith.mulf %mul3A_34, %slice3A_33 : vector<256x64xf32>
      %add3A_36 = arith.addf %add3A, %mul3A_35 : vector<256x64xf32>
      %slice3A_37 = vector.extract_strided_slice %div3A_17 {offsets = [0, 2], sizes = [256, 1], strides = [1, 1]} : vector<256x8xf32> to vector<256x1xf32>
      %get3A_38 = arith.constant 2 : index
      %get3A_39 = arith.constant 0 : index
      %get3A_40 = arith.constant 0 : index
      %get3A_41 = vector.load %arg2[%get3A_38, %get3A_39, %get3A_40] : memref<8x256x128xf32, #tpu.memory_space<vmem>>, vector<1x256x128xf32>
      %get3A_42 = vector.shape_cast %get3A_41 : vector<1x256x128xf32> to vector<256x128xf32>
      %slice3A_43 = vector.extract_strided_slice %get3A_42 {offsets = [0, 0], sizes = [256, 64], strides = [1, 1]} : vector<256x128xf32> to vector<256x64xf32>
      %mul3A_44 = vector.broadcast %slice3A_37 : vector<256x1xf32> to vector<256x64xf32>
      %mul3A_45 = arith.mulf %mul3A_44, %slice3A_43 : vector<256x64xf32>
      %add3A_46 = arith.addf %add3A_36, %mul3A_45 : vector<256x64xf32>
      %slice3A_47 = vector.extract_strided_slice %div3A_17 {offsets = [0, 3], sizes = [256, 1], strides = [1, 1]} : vector<256x8xf32> to vector<256x1xf32>
      %get3A_48 = arith.constant 3 : index
      %get3A_49 = arith.constant 0 : index
      %get3A_50 = arith.constant 0 : index
      %get3A_51 = vector.load %arg2[%get3A_48, %get3A_49, %get3A_50] : memref<8x256x128xf32, #tpu.memory_space<vmem>>, vector<1x256x128xf32>
      %get3A_52 = vector.shape_cast %get3A_51 : vector<1x256x128xf32> to vector<256x128xf32>
      %slice3A_53 = vector.extract_strided_slice %get3A_52 {offsets = [0, 0], sizes = [256, 64], strides = [1, 1]} : vector<256x128xf32> to vector<256x64xf32>
      %mul3A_54 = vector.broadcast %slice3A_47 : vector<256x1xf32> to vector<256x64xf32>
      %mul3A_55 = arith.mulf %mul3A_54, %slice3A_53 : vector<256x64xf32>
      %add3A_56 = arith.addf %add3A_46, %mul3A_55 : vector<256x64xf32>
      %slice3A_57 = vector.extract_strided_slice %div3A_17 {offsets = [0, 4], sizes = [256, 1], strides = [1, 1]} : vector<256x8xf32> to vector<256x1xf32>
      %get3A_58 = arith.constant 4 : index
      %get3A_59 = arith.constant 0 : index
      %get3A_60 = arith.constant 0 : index
      %get3A_61 = vector.load %arg2[%get3A_58, %get3A_59, %get3A_60] : memref<8x256x128xf32, #tpu.memory_space<vmem>>, vector<1x256x128xf32>
      %get3A_62 = vector.shape_cast %get3A_61 : vector<1x256x128xf32> to vector<256x128xf32>
      %slice3A_63 = vector.extract_strided_slice %get3A_62 {offsets = [0, 0], sizes = [256, 64], strides = [1, 1]} : vector<256x128xf32> to vector<256x64xf32>
      %mul3A_64 = vector.broadcast %slice3A_57 : vector<256x1xf32> to vector<256x64xf32>
      %mul3A_65 = arith.mulf %mul3A_64, %slice3A_63 : vector<256x64xf32>
      %add3A_66 = arith.addf %add3A_56, %mul3A_65 : vector<256x64xf32>
      %slice3A_67 = vector.extract_strided_slice %div3A_17 {offsets = [0, 5], sizes = [256, 1], strides = [1, 1]} : vector<256x8xf32> to vector<256x1xf32>
      %get3A_68 = arith.constant 5 : index
      %get3A_69 = arith.constant 0 : index
      %get3A_70 = arith.constant 0 : index
      %get3A_71 = vector.load %arg2[%get3A_68, %get3A_69, %get3A_70] : memref<8x256x128xf32, #tpu.memory_space<vmem>>, vector<1x256x128xf32>
      %get3A_72 = vector.shape_cast %get3A_71 : vector<1x256x128xf32> to vector<256x128xf32>
      %slice3A_73 = vector.extract_strided_slice %get3A_72 {offsets = [0, 0], sizes = [256, 64], strides = [1, 1]} : vector<256x128xf32> to vector<256x64xf32>
      %mul3A_74 = vector.broadcast %slice3A_67 : vector<256x1xf32> to vector<256x64xf32>
      %mul3A_75 = arith.mulf %mul3A_74, %slice3A_73 : vector<256x64xf32>
      %add3A_76 = arith.addf %add3A_66, %mul3A_75 : vector<256x64xf32>
      %slice3A_77 = vector.extract_strided_slice %div3A_17 {offsets = [0, 6], sizes = [256, 1], strides = [1, 1]} : vector<256x8xf32> to vector<256x1xf32>
      %get3A_78 = arith.constant 6 : index
      %get3A_79 = arith.constant 0 : index
      %get3A_80 = arith.constant 0 : index
      %get3A_81 = vector.load %arg2[%get3A_78, %get3A_79, %get3A_80] : memref<8x256x128xf32, #tpu.memory_space<vmem>>, vector<1x256x128xf32>
      %get3A_82 = vector.shape_cast %get3A_81 : vector<1x256x128xf32> to vector<256x128xf32>
      %slice3A_83 = vector.extract_strided_slice %get3A_82 {offsets = [0, 0], sizes = [256, 64], strides = [1, 1]} : vector<256x128xf32> to vector<256x64xf32>
      %mul3A_84 = vector.broadcast %slice3A_77 : vector<256x1xf32> to vector<256x64xf32>
      %mul3A_85 = arith.mulf %mul3A_84, %slice3A_83 : vector<256x64xf32>
      %add3A_86 = arith.addf %add3A_76, %mul3A_85 : vector<256x64xf32>
      %slice3A_87 = vector.extract_strided_slice %div3A_17 {offsets = [0, 7], sizes = [256, 1], strides = [1, 1]} : vector<256x8xf32> to vector<256x1xf32>
      %get3A_88 = arith.constant 7 : index
      %get3A_89 = arith.constant 0 : index
      %get3A_90 = arith.constant 0 : index
      %get3A_91 = vector.load %arg2[%get3A_88, %get3A_89, %get3A_90] : memref<8x256x128xf32, #tpu.memory_space<vmem>>, vector<1x256x128xf32>
      %get3A_92 = vector.shape_cast %get3A_91 : vector<1x256x128xf32> to vector<256x128xf32>
      %slice3A_93 = vector.extract_strided_slice %get3A_92 {offsets = [0, 0], sizes = [256, 64], strides = [1, 1]} : vector<256x128xf32> to vector<256x64xf32>
      %mul3A_94 = vector.broadcast %slice3A_87 : vector<256x1xf32> to vector<256x64xf32>
      %mul3A_95 = arith.mulf %mul3A_94, %slice3A_93 : vector<256x64xf32>
      %add3A_96 = arith.addf %add3A_86, %mul3A_95 : vector<256x64xf32>
      %get3A_97 = arith.constant 0 : index
      %get3A_98 = arith.constant 0 : index
      %get3A_99 = vector.load %arg13[%get3A_97, %get3A_98] : memref<64x256xf32, #tpu.memory_space<vmem>>, vector<64x256xf32>
      %dot_general3A = arith.constant dense<0.000000e+00> : vector<256x256xf32>
      %dot_general3A_100 = tpu.matmul %add3A_96, %get3A_99, %dot_general3A {dimension_numbers = #tpu.dot_dimension_numbers<[1], [0], [0], [1], [0, 0, 1, 1], [], []>, transpose_lhs_hint = false} : vector<256x64xf32>, vector<64x256xf32>, vector<256x256xf32> -> vector<256x256xf32>
      %get3A_101 = arith.constant 0 : index
      %get3A_102 = arith.constant 0 : index
      %get3A_103 = vector.load %arg14[%get3A_101, %get3A_102] : memref<1x256xf32, #tpu.memory_space<vmem>>, vector<1x256xf32>
      %add3A_104 = vector.broadcast %get3A_103 : vector<1x256xf32> to vector<256x256xf32>
      %add3A_105 = arith.addf %dot_general3A_100, %add3A_104 : vector<256x256xf32>
      %max3A = arith.constant 0.000000e+00 : f32
      %max3A_106 = vector.broadcast %max3A : f32 to vector<256x256xf32>
      %max3A_107 = arith.maximumf %add3A_105, %max3A_106 : vector<256x256xf32>
      %get3A_108 = arith.constant 0 : index
      %get3A_109 = arith.constant 0 : index
      %get3A_110 = vector.load %arg15[%get3A_108, %get3A_109] : memref<256x64xf32, #tpu.memory_space<vmem>>, vector<256x64xf32>
      %dot_general3A_111 = arith.constant dense<0.000000e+00> : vector<256x64xf32>
      %dot_general3A_112 = tpu.matmul %max3A_107, %get3A_110, %dot_general3A_111 {dimension_numbers = #tpu.dot_dimension_numbers<[1], [0], [0], [1], [0, 0, 1, 1], [], []>, transpose_lhs_hint = false} : vector<256x256xf32>, vector<256x64xf32>, vector<256x64xf32> -> vector<256x64xf32>
      %get3A_113 = arith.constant 0 : index
      %get3A_114 = arith.constant 0 : index
      %get3A_115 = vector.load %arg16[%get3A_113, %get3A_114] : memref<1x64xf32, #tpu.memory_space<vmem>>, vector<1x64xf32>
      %add3A_116 = vector.broadcast %get3A_115 : vector<1x64xf32> to vector<256x64xf32>
      %add3A_117 = arith.addf %dot_general3A_112, %add3A_116 : vector<256x64xf32>
      %swap3A = arith.constant 0 : index
      %swap3A_118 = arith.constant 0 : index
      %swap3A_119 = vector.load %arg17[%swap3A, %swap3A_118] : memref<256x64xf32, #tpu.memory_space<vmem>>, vector<256x64xf32>
      tpu.vector_store %arg17[%swap3A, %swap3A_118], %add3A_117 {strides = array<i32>} : memref<256x64xf32, #tpu.memory_space<vmem>>, vector<256x64xf32>,
      %get3A_120 = arith.constant 0 : index
      %get3A_121 = arith.constant 0 : index
      %get3A_122 = vector.load %arg4[%get3A_120, %get3A_121] : memref<256x64xf32, #tpu.memory_space<vmem>>, vector<256x64xf32>
      %sub3A_123 = arith.subf %get3A_122, %add3A_117 : vector<256x64xf32>
      %swap3A_124 = arith.constant 0 : index
      %swap3A_125 = arith.constant 0 : index
      %swap3A_126 = vector.load %arg18[%swap3A_124, %swap3A_125] : memref<256x64xf32, #tpu.memory_space<vmem>>, vector<256x64xf32>
      tpu.vector_store %arg18[%swap3A_124, %swap3A_125], %sub3A_123 {strides = array<i32>} : memref<256x64xf32, #tpu.memory_space<vmem>>, vector<256x64xf32>,
    } else {
    }
    return
  }
  func.func @transform_0(%arg0: i32, %arg1: i32) -> (i32, i32, i32) {
    %c0_i32 = arith.constant 0 : i32
    %c0_i32_0 = arith.constant 0 : i32
    %c0_i32_1 = arith.constant 0 : i32
    return %c0_i32, %arg1, %c0_i32_0 : i32, i32, i32
  }
  func.func @transform_1(%arg0: i32, %arg1: i32) -> (i32, i32) {
    %c0_i32 = arith.constant 0 : i32
    %c0_i32_0 = arith.constant 0 : i32
    return %arg1, %c0_i32 : i32, i32
  }
  func.func @transform_2(%arg0: i32, %arg1: i32) -> (i32, i32) {
    %c0_i32 = arith.constant 0 : i32
    %c0_i32_0 = arith.constant 0 : i32
    return %arg1, %c0_i32 : i32, i32
  }
  func.func @transform_3(%arg0: i32, %arg1: i32) -> (i32, i32) {
    %c0_i32 = arith.constant 0 : i32
    %c0_i32_0 = arith.constant 0 : i32
    %c0_i32_1 = arith.constant 0 : i32
    return %c0_i32, %c0_i32_0 : i32, i32
  }
  func.func @transform_4(%arg0: i32, %arg1: i32) -> (i32, i32) {
    %c0_i32 = arith.constant 0 : i32
    %c0_i32_0 = arith.constant 0 : i32
    %c0_i32_1 = arith.constant 0 : i32
    return %c0_i32, %c0_i32_0 : i32, i32
  }
  func.func @transform_5(%arg0: i32, %arg1: i32) -> (i32, i32) {
    %c0_i32 = arith.constant 0 : i32
    %c0_i32_0 = arith.constant 0 : i32
    %c0_i32_1 = arith.constant 0 : i32
    return %c0_i32, %c0_i32_0 : i32, i32
  }
  func.func @transform_6(%arg0: i32, %arg1: i32) -> (i32, i32) {
    %c0_i32 = arith.constant 0 : i32
    %c0_i32_0 = arith.constant 0 : i32
    %c0_i32_1 = arith.constant 0 : i32
    return %c0_i32, %c0_i32_0 : i32, i32
  }
  func.func @transform_7(%arg0: i32, %arg1: i32) -> (i32, i32) {
    %c0_i32 = arith.constant 0 : i32
    %c0_i32_0 = arith.constant 0 : i32
    %c0_i32_1 = arith.constant 0 : i32
    return %c0_i32, %c0_i32_0 : i32, i32
  }
  func.func @transform_8(%arg0: i32, %arg1: i32) -> (i32, i32) {
    %c0_i32 = arith.constant 0 : i32
    %c0_i32_0 = arith.constant 0 : i32
    %c0_i32_1 = arith.constant 0 : i32
    return %c0_i32, %c0_i32_0 : i32, i32
  }
  func.func @transform_9(%arg0: i32, %arg1: i32) -> (i32, i32) {
    %c0_i32 = arith.constant 0 : i32
    %c0_i32_0 = arith.constant 0 : i32
    %c0_i32_1 = arith.constant 0 : i32
    return %c0_i32, %c0_i32_0 : i32, i32
  }
  func.func @transform_10(%arg0: i32, %arg1: i32) -> (i32, i32) {
    %c0_i32 = arith.constant 0 : i32
    %c0_i32_0 = arith.constant 0 : i32
    %c0_i32_1 = arith.constant 0 : i32
    return %c0_i32, %c0_i32_0 : i32, i32
  }
  func.func @transform_11(%arg0: i32, %arg1: i32) -> (i32, i32) {
    %c0_i32 = arith.constant 0 : i32
    %c0_i32_0 = arith.constant 0 : i32
    %c0_i32_1 = arith.constant 0 : i32
    return %c0_i32, %c0_i32_0 : i32, i32
  }
  func.func @transform_12(%arg0: i32, %arg1: i32) -> (i32, i32) {
    %c0_i32 = arith.constant 0 : i32
    %c0_i32_0 = arith.constant 0 : i32
    %c0_i32_1 = arith.constant 0 : i32
    return %c0_i32, %c0_i32_0 : i32, i32
  }
  func.func @transform_13(%arg0: i32, %arg1: i32) -> (i32, i32) {
    %c0_i32 = arith.constant 0 : i32
    %c0_i32_0 = arith.constant 0 : i32
    %c0_i32_1 = arith.constant 0 : i32
    return %c0_i32, %c0_i32_0 : i32, i32
  }
  func.func @transform_14(%arg0: i32, %arg1: i32) -> (i32, i32) {
    %c0_i32 = arith.constant 0 : i32
    %c0_i32_0 = arith.constant 0 : i32
    %c0_i32_1 = arith.constant 0 : i32
    return %c0_i32, %c0_i32_0 : i32, i32
  }
  func.func @transform_15(%arg0: i32, %arg1: i32) -> (i32, i32) {
    %c0_i32 = arith.constant 0 : i32
    %c0_i32_0 = arith.constant 0 : i32
    return %arg1, %c0_i32 : i32, i32
  }
  func.func @transform_16(%arg0: i32, %arg1: i32) -> (i32, i32) {
    %c0_i32 = arith.constant 0 : i32
    %c0_i32_0 = arith.constant 0 : i32
    return %arg1, %c0_i32 : i32, i32
  }
}

</mosaic_0001>

<sc_bundles>
// kernel: kernel.5.cloned.1.call-start
scs
__scs_entry_jumppad:
0x0: {  	(pc) =	sbr.rel $0x88, $3  }
0x1: {  	(tag) =	ssettag $0x0;
	lr =	simm.s32 $0x1  }
0x2: {  	[smem:$0x3F93] =	sst lr;
	_ =	strace $0xD0000000  }
0x3: {  	_ = 	snop  }
0x4: {  	_ = 	snop  }
0x5: {  	_ = 	snop  }
0x6: {  	_ = 	snop  }
0x7: {  	_ = 	snop  }
__scs_overlays_trampoline_lowered:
0x8: {  	[smem:$0x3FA2] =	sst s0  }
0x9: {  	[smem:$0x3FA3] =	sst s1  }
0xa: {  	[smem:$0x3FA4] =	sst s2  }
0xb: {  	[smem:$0x3FA5] =	sst s3  }
0xc: {  	[smem:$0x3FA6] =	sst s4  }
0xd: {  	[smem:$0x3FA7] =	sst s5  }
0xe: {  	[smem:$0x3FA8] =	sst s6  }
0xf: {  	[smem:$0x3FA9] =	sst s7  }
0x10: {  	[smem:$0x3FAA] =	sst s8  }
0x11: {  	[smem:$0x3FAB] =	sst s9;
	s0 =	simm.s32 @!p0 $0x0  }
0x12: {  	s1 =	sld [smem:$0x3F91];
	s0 =	simm.s32 @p0 $0x1  }
0x13: {  	[smem:$0x3FAC] =	sst s0;
	s0 =	simm.s32 @!p1 $0x0  }
0x14: {  	s2 =	sld [smem:$0x3F90];
	s0 =	simm.s32 @p1 $0x1  }
0x15: {  	[smem:$0x3FAD] =	sst s0;
	s0 =	simm.s32 @!p2 $0x0  }
0x16: {  	s3 =	sld [smem:$0x3FDB];
	s0 =	simm.s32 @p2 $0x1  }
0x17: {  	s4 =	simm.s32 $0x1BF5;
	[smem:$0x3FAF] =	sst s0  }
0x18: {  	s0 =	sld [smem:$0x3F92];
	_ =	swait.ge [sflag:s4], $0x0  }
0x19: {  	s7 =	sld [smem:$0x3F93]  }
0x1a: {  	s8 =	sadd.s32 $0xFFFFE003, lr  }
0x1b: {  	s9 =	sadd.s32 $0xFFFFFEF7, lr;
	s5 =	simm.s32 $0xFFFFFFFF;
	p2 =	slt.u32 s8, $0xFFFFF086  }
0x1c: {  	p1 =	slt.u32 s9, $0xF7A;
	s5 =	simm.s32 @!p2 $0x0  }
0x1d: {  	s5 =	simm.s32 @p1 $0x1;
	p0 =	seq.s32 s7, s2  }
0x1e: {  	s7 =	smul.u32 @!p0 $0xF7A, s2;
	p2 =	seq.s32 @!p0 s5, $0x0  }
0x1f: {  	s9 =	smul.u32 $0xF7A, s1;
	s8 =	simm.s32 @!p0 $0x1BF5;
	p2 =	por !p2, p0  }
0x20: {  	[sflag:s8] =	ssyncset.s32 @!p0 $0xFFFFF086;
	s6 =	sadd.s32 @!p0 s3, s7;
	s7 =	simm.s32 @!p0 $0x108  }
0x21: {  	s3 =	sadd.s32 s3, s9;
	s6 =	sadd.s32 @!p0 $0x88, s6;
	s7 =	simm.s32 @p2 $0x1082  }
0x22: {  	[simem:s7], [sflag:s8] =	dma.local @!p0 [hbm:s6], $0xF7A  }
0x23: {  	s9 =	sor.u32 $0xD0000000, s2;
	s6 =	simm.s32 $0x108;
	_ =	swait.ge @!p0 [sflag:s8], $0x0  }
0x24: {  	s3 =	sadd.s32 $0x88, s3;
	s6 =	simm.s32 @!p1 $0x1082;
	[sflag:s4] =	ssyncset.s32 $0xFFFFF086  }
0x25: {  	[simem:s6], [sflag:s4] =	dma.local [hbm:s3], $0xF7A  }
0x26: {  	[smem:$0x3F93] =	sst s1;
	(tag) =	ssettag s2;
	_ =	strace s9  }
0x27: {  	s1 =	sld [smem:$0x3FA3]  }
0x28: {  	s2 =	sld [smem:$0x3FA4]  }
0x29: {  	s4 =	sld [smem:$0x3FA6]  }
0x2a: {  	p0 =	seq.s32 s5, $0x0;
	s5 =	sld [smem:$0x3FA7]  }
0x2b: {  	s6 =	sld [smem:$0x3FA8]  }
0x2c: {  	s7 =	sld [smem:$0x3FA9]  }
0x2d: {  	s3 =	simm.s32 $0x108;
	s8 =	sld [smem:$0x3FAA]  }
0x2e: {  	s3 =	simm.s32 @!p0 $0x1082;
	s9 =	sld [smem:$0x3FAB]  }
0x2f: {  	lr =	sadd.s32 s0, s3;
	s0 =	sld [smem:$0x3FA2]  }
0x30: {  	s3 =	sld [smem:$0x3FA5]  }
0x31: {  	[smem:$0x3FAE] =	sst s10  }
0x32: {  	s10 =	sld [smem:$0x3FAC];
	_ =	sdelay $0x3  }
0x33: {  	p0 =	seq.s32 s10, $0x1;
	s10 =	sld [smem:$0x3FAE];
	_ =	sdelay $0x3  }
0x34: {  	[smem:$0x3FAE] =	sst s10  }
0x35: {  	s10 =	sld [smem:$0x3FAD];
	_ =	sdelay $0x3  }
0x36: {  	p1 =	seq.s32 s10, $0x1;
	s10 =	sld [smem:$0x3FAE];
	_ =	sdelay $0x3  }
0x37: {  	[smem:$0x3FAE] =	sst s10  }
0x38: {  	s10 =	sld [smem:$0x3FAF]  }
0x39: {  	_ = 	snop;
	(pc) =	sbr.ind lr, $3  }
0x3a: {  	_ = 	snop  }
0x3b: {  	_ = 	snop  }
0x3c: {  	p2 =	seq.s32 s10, $0x1;
	s10 =	sld [smem:$0x3FAE]  }
0x3d: {  	_ =	shalt  }
0x3e: {  	_ =	shalt  }
0x3f: {  	_ =	shalt  }
0x40: {  	_ =	shalt  }
0x41: {  	_ =	shalt  }
0x42: {  	_ =	shalt  }
0x43: {  	_ =	shalt  }
0x44: {  	_ =	shalt  }
0x45: {  	_ =	shalt  }
0x46: {  	_ =	shalt  }
0x47: {  	_ =	shalt  }
0x48: {  	_ =	shalt  }
0x49: {  	_ =	shalt  }
0x4a: {  	_ =	shalt  }
0x4b: {  	_ =	shalt  }
0x4c: {  	_ =	shalt  }
0x4d: {  	_ =	shalt  }
0x4e: {  	_ =	shalt  }
0x4f: {  	_ =	shalt  }
0x50: {  	_ =	shalt  }
0x51: {  	_ =	shalt  }
0x52: {  	_ =	shalt  }
0x53: {  	_ =	shalt  }
0x54: {  	_ =	shalt  }
0x55: {  	_ =	shalt  }
0x56: {  	_ =	shalt  }
0x57: {  	_ =	shalt  }
0x58: {  	_ =	shalt  }
0x59: {  	_ =	shalt  }
0x5a: {  	_ =	shalt  }
0x5b: {  	_ =	shalt  }
0x5c: {  	_ =	shalt  }
0x5d: {  	_ =	shalt  }
0x5e: {  	_ =	shalt  }
0x5f: {  	_ =	shalt  }
0x60: {  	_ =	shalt  }
0x61: {  	_ =	shalt  }
0x62: {  	_ =	shalt  }
0x63: {  	_ =	shalt  }
0x64: {  	_ =	shalt  }
0x65: {  	_ =	shalt  }
0x66: {  	_ =	shalt  }
0x67: {  	_ =	shalt  }
0x68: {  	_ =	shalt  }
0x69: {  	_ =	shalt  }
0x6a: {  	_ =	shalt  }
0x6b: {  	_ =	shalt  }
0x6c: {  	_ =	shalt  }
0x6d: {  	_ =	shalt  }
0x6e: {  	_ =	shalt  }
0x6f: {  	_ =	shalt  }
0x70: {  	_ =	shalt  }
0x71: {  	_ =	shalt  }
0x72: {  	_ =	shalt  }
0x73: {  	_ =	shalt  }
0x74: {  	_ =	shalt  }
0x75: {  	_ =	shalt  }
0x76: {  	_ =	shalt  }
0x77: {  	_ =	shalt  }
0x78: {  	_ =	shalt  }
0x79: {  	_ =	shalt  }
0x7a: {  	_ =	shalt  }
0x7b: {  	_ =	shalt  }
0x7c: {  	_ =	shalt  }
0x7d: {  	_ =	shalt  }
0x7e: {  	_ =	shalt  }
0x7f: {  	_ =	shalt  }
0x80: {  	_ =	shalt  }
0x81: {  	_ =	shalt  }
0x82: {  	_ =	shalt  }
0x83: {  	_ =	shalt  }
0x84: {  	_ =	shalt  }
0x85: {  	_ =	shalt  }
0x86: {  	_ =	shalt  }
0x87: {  	_ =	shalt  }
.Lfunc_end0:
.L_simem_size_0:
called_computation_lowered:
.L_overlay_start_0:
0x88: {  	s2 =	sld [smem:$0x3FD9]  }
0x89: {  	s3 =	sld [smem:$0x3FFE];
	_ =	sdelay $0x1  }
0x8a: {  	s1 =	srdreg.scid  }
0x8b: {  	s0 =	sand.u32 $0x1, s1  }
0x8c: {  	s14 =	sshll.u32 s0, $0xA;
	s2 =	sadd.s32 s3, s2  }
0x8d: {  	s2 =	sadd.s32 s2, s14  }
0x8e: {  	[smem:$0x3FBA] =	sst s2  }
0x8f: {  	_ = 	snop  }
0x90: {  	s2 =	sld [smem:$0x3FD0];
	_ =	sdelay $0x2  }
0x91: {  	s15 =	simm.s32 $0xA;
	s4 =	simm.s32 $0x10  }
0x92: {  	[smem:s4], [sflag:s15] =	dma.local [hbm:s2], $0x1  }
0x93: {  	_ =	swait.eq [sflag:s15], $0x1  }
0x94: {  	[sflag:s15] =	ssyncset.done $0x0  }
0x95: {  	[sflag:s15] =	ssyncadd.s32 $0xFFFFFFFF  }
0x96: {  	s16 =	sld [smem:$0x11];
	(tm) =	ssettm $0x1  }
0x97: {  	s17 =	sld [smem:$0x3FFB];
	_ =	sdelay $0x3  }
0x98: {  	_ =	strace s17  }
0x99: {  	s3 =	sld [smem:$0x3FFC];
	_ =	sdelay $0x3  }
0x9a: {  	_ =	strace s3  }
0x9b: {  	s3 =	sld [smem:$0x3FFD];
	_ =	sdelay $0x3  }
0x9c: {  	_ =	strace s3  }
0x9d: {  	_ =	strace $0x8FFFFFFF  }
0x9e: {  	s18 =	sld [smem:$0x3FDB];
	_ =	sdelay $0x1  }
0x9f: {  	s19 =	simm.s32 $_scs_section_size  }
0xa0: {  	s5 =	simm.s32 $_size__tile_overlayer_lowered;
	s6 =	simm.s32 $_tile_overlayer_lowered  }
0xa1: {  	s22 =	simm.s32 $0x1BFF;
	s21 =	sshll.u32 s6, $0x1;
	s3 =	sadd.s32 s19, s18  }
0xa2: {  	s7 =	simm.s32 $0x0;
	s20 =	sshll.u32 s5, $0x1;
	s5 =	sadd.s32 s21, s3  }
0xa3: {  	[timem:s7], [sflag:s22] =	dma.local [hbm:s5], s20  }
0xa4: {  	_ =	swait.ge [sflag:s22], s20  }
0xa5: {  	s4 =	ssub.s32 $0x0, s20;
	[sflag:s22] =	ssyncset.done $0x0  }
0xa6: {  	[sflag:s22] =	ssyncadd.s32 s4;
	_ =	sdelay $0x1  }
0xa7: {  	s23 =	simm.s32 $0x1B8B  }
0xa8: {  	_ =	swait.ge [sflag:s23], $0x1  }
0xa9: {  	[sflag:s23] =	ssyncset.done $0x0  }
0xaa: {  	s25 =	simm.s32 $0x1B8E;
	s24 =	sld [smem:$0x3FFE];
	[sflag:s23] =	ssyncadd.s32 $0xFFFFFFFF  }
0xab: {  	s26 =	simm.s32 $execute0_lowered;
	[smem:$0x3FD2] =	sst s25  }
0xac: {  	s5 =	sshll.u32 s26, $0x1;
	_ =	strace $0x80000046;
	[dreg:$0x1] =	wrdreg $0xFFFFFFFF  }
0xad: {  	s28 =	simm.s32 $_size_execute0_lowered;
	s3 =	sadd.s32 s3, s5;
	[dreg:$0x0] =	wrdreg $0x0  }
0xae: {  	s5 =	sshll.u32 s28, $0x1;
	[dreg:$0x2] =	wrdreg s3  }
0xaf: {  	[dreg:$0x3] =	wrdreg s5  }
0xb0: {  	[dreg:$0x4] =	wrdreg $0xC0  }
0xb1: {  	_ =	task [dreg:s7], $0x5FFFF  }
0xb2: {  	[dreg:$0x1] =	wrdreg $0xFFFFFFFF  }
0xb3: {  	[dreg:$0x0] =	wrdreg $0x60  }
0xb4: {  	[dreg:$0x2] =	wrdreg s24  }
0xb5: {  	[dreg:$0x3] =	wrdreg s16  }
0xb6: {  	[dreg:$0x4] =	wrdreg $0x9  }
0xb7: {  	_ =	task.clear_ibuf [dreg:s7], $0x5FFFF;
	_ =	strace $0x90000046  }
0xb8: {  	s29 =	simm.s32 $0x9;
	_ =	strace $0x80000048  }
0xb9: {  	_ =	swait.ge [sflag:s29], $0x1  }
0xba: {  	[sflag:s29] =	ssyncadd.s32 $0xFFFFFFFF  }
0xbb: {  	_ =	strace $0x90000048  }
0xbc: {  	_ =	sfence  }
0xbd: {  	s30 =	sld [smem:$0x0];
	_ =	sdelay $0x2  }
0xbe: {  	s31 =	sshll.u32 s1, $0xD;
	s1 =	sshrl.u32 s1, $0x2  }
0xbf: {  	s3 =	sand.u32 $0x4000, s31;
	s1 =	sadd.s32 s1, s30  }
0xc0: {  	s0 =	sor.u32 s3, s0;
	s1 =	sshll.u32 s1, $0x11  }
0xc1: {  	s0 =	sor.u32 s1, s0  }
0xc2: {  	s0 =	sadd.s32 $0x8F2B, s0  }
0xc3: {  	[sflag:s0] =	ssyncadd.remote.s32 $0x1  }
0xc4: {  	_ =	sfence.sel $0xFFFF  }
0xc5: {  	[dreg:$0x0] =	wrdreg $0xFFFFFFFF;
	(pc) =	sbr.abs _section_cstart, $3  }
0xc6: {  	[dreg:$0x1] =	wrdreg $0xFFFFFFFF  }
0xc7: {  	_ =	task.clear_ibuf [dreg:s7], $0x2FFFF;
	_ =	strace $0x9FFFFFFF  }
0xc8: {  	(tm) =	ssettm $0x7FFFFFFF  }
0xc9: {  	_ =	shalt  }
tec
execute0_lowered:
.L_overlay_start_1:
0x0: {  	(tag) =	ssettag $0x1  }
0x1: {  	s1 =	srdreg.scid  }
0x2: {  	s0 =	stileid.u32;
	s1 =	sand.u32 $0x1, s1  }
0x3: {  	s4 =	rddreg [dreg:$0x0];
	s5 =	sshll.u32 s0, $0xC;
	s6 =	sshll.u32 s1, $0xB  }
0x4: {  	s3 =	rddreg [dreg:$0x1];
	s5 =	sor.u32 s6, s5  }
0x5: {  	s2 =	simm.s32 $0x0;
	s6 =	sshll.u32 s5, $0x4;
	s5 =	sshrl.u32 s5, $0x3  }
0x6: {  	[smem:$0x7FF] =	sst s2;
	s31 =	sadd.s32 s6, s4;
	s3 =	sadd.s32 s3, s5  }
0x7: {  	_ =	strace $0x80000047;
	[dreg:$0x3] =	wrdreg s3;
	s17 =	sadd.s32 $0x22000, s31  }
0x8: {  	s18 =	sadd.s32 $0x22800, s31;
	[dreg:$0x4] =	wrdreg s17  }
0x9: {  	s19 =	sadd.s32 $0x23000, s31;
	[dreg:$0x5] =	wrdreg s18  }
0xa: {  	s20 =	sadd.s32 $0x23800, s31;
	[dreg:$0x6] =	wrdreg s19  }
0xb: {  	s21 =	sadd.s32 $0x24000, s31;
	[dreg:$0x7] =	wrdreg s20  }
0xc: {  	s22 =	sadd.s32 $0x24800, s31;
	[dreg:$0x8] =	wrdreg s21  }
0xd: {  	s23 =	sadd.s32 $0x25000, s31;
	[dreg:$0x9] =	wrdreg s22  }
0xe: {  	[dreg:$0xa] =	wrdreg s23  }
0xf: {  	s24 =	sadd.s32 $0x25800, s31;
	s25 =	rddreg [dreg:$0x3]  }
0x10: {  	s26 =	sadd.s32 $0x26000, s31;
	[dreg:$0xb] =	wrdreg s24  }
0x11: {  	s3 =	simm.s32 $0x3;
	[dreg:$0xc] =	wrdreg s26  }
0x12: {  	[tilespmem:s2], [sflag:$0x3] =	stream.linear.gather [hbm4b:s25+s2], $0x800, $0x38;
	[tilespmem:$0x8800] =	vst v63  }
0x13: {  	_ =	swait.ge [sflag:s3], $0x800  }
0x14: {  	s4 =	sadd.s32 $0x2000, s4;
	[sflag:s3] =	ssyncset.done $0x0  }
0x15: {  	s5 =	simm.s32 $0x80;
	s6 =	simm.s32 $0x800;
	[sflag:s3] =	ssyncadd.s32 $0xFFFFF800  }
0x16: {  	[tilespmem:s6], [sflag:$0x1] =	stream.indirect.gather [hbm4b:s4+s5], $0x80, s2, s5, $0xb8;
	[tilespmem:$0x8800] =	vst v63  }
0x17: {  	s7 =	simm.s32 $0x4800;
	s8 =	simm.s32 $0x1  }
0x18: {  	[tilespmem:s7], [sflag:$0x2] =	stream.indirect.gather [hbm4b:s4+s5], $0x80, s5, s5, $0xb8;
	[tilespmem:$0x8800] =	vst v63  }
0x19: {  	_ =	swait.ge [sflag:s8], $0x4000  }
0x1a: {  	[sflag:s8] =	ssyncset.done $0x0  }
0x1b: {  	s9 =	rddreg [dreg:$0x4];
	[sflag:s8] =	ssyncadd.s32 $0xFFFFC000  }
0x1c: {  	[hbm4b:s9+s2] =	stream.linear.scatter [tilespmem:s6], [sflag:$0x3], $0x4000, $0x38;
	[tilespmem:$0x8800] =	vst v63  }
0x1d: {  	_ =	swait.ge [sflag:s3], $0x4000  }
0x1e: {  	[sflag:s3] =	ssyncset.done $0x0  }
0x1f: {  	s10 =	simm.s32 $0x2;
	s9 =	simm.s32 $0x100;
	[sflag:s3] =	ssyncadd.s32 $0xFFFFC000  }
0x20: {  	[tilespmem:s6], [sflag:$0x1] =	stream.indirect.gather [hbm4b:s4+s5], $0x80, s9, s5, $0xb8;
	[tilespmem:$0x8800] =	vst v63  }
0x21: {  	_ =	swait.ge [sflag:s10], $0x4000  }
0x22: {  	[sflag:s10] =	ssyncset.done $0x0  }
0x23: {  	s11 =	rddreg [dreg:$0x5];
	[sflag:s10] =	ssyncadd.s32 $0xFFFFC000  }
0x24: {  	[hbm4b:s11+s2] =	stream.linear.scatter [tilespmem:s7], [sflag:$0x3], $0x4000, $0x38;
	[tilespmem:$0x8800] =	vst v63  }
0x25: {  	_ =	swait.ge [sflag:s3], $0x4000  }
0x26: {  	[sflag:s3] =	ssyncset.done $0x0  }
0x27: {  	s11 =	simm.s32 $0x180;
	[sflag:s3] =	ssyncadd.s32 $0xFFFFC000  }
0x28: {  	[tilespmem:s7], [sflag:$0x2] =	stream.indirect.gather [hbm4b:s4+s5], $0x80, s11, s5, $0xb8;
	[tilespmem:$0x8800] =	vst v63  }
0x29: {  	_ =	swait.ge [sflag:s8], $0x4000  }
0x2a: {  	[sflag:s8] =	ssyncset.done $0x0  }
0x2b: {  	s12 =	rddreg [dreg:$0x6];
	[sflag:s8] =	ssyncadd.s32 $0xFFFFC000  }
0x2c: {  	[hbm4b:s12+s2] =	stream.linear.scatter [tilespmem:s6], [sflag:$0x3], $0x4000, $0x38;
	[tilespmem:$0x8800] =	vst v63  }
0x2d: {  	_ =	swait.ge [sflag:s3], $0x4000  }
0x2e: {  	[sflag:s3] =	ssyncset.done $0x0  }
0x2f: {  	s12 =	simm.s32 $0x200;
	[sflag:s3] =	ssyncadd.s32 $0xFFFFC000  }
0x30: {  	[tilespmem:s6], [sflag:$0x1] =	stream.indirect.gather [hbm4b:s4+s5], $0x80, s12, s5, $0xb8;
	[tilespmem:$0x8800] =	vst v63  }
0x31: {  	_ =	swait.ge [sflag:s10], $0x4000  }
0x32: {  	[sflag:s10] =	ssyncset.done $0x0  }
0x33: {  	s13 =	rddreg [dreg:$0x7];
	[sflag:s10] =	ssyncadd.s32 $0xFFFFC000  }
0x34: {  	[hbm4b:s13+s2] =	stream.linear.scatter [tilespmem:s7], [sflag:$0x3], $0x4000, $0x38;
	[tilespmem:$0x8800] =	vst v63  }
0x35: {  	_ =	swait.ge [sflag:s3], $0x4000  }
0x36: {  	[sflag:s3] =	ssyncset.done $0x0  }
0x37: {  	s13 =	simm.s32 $0x280;
	[sflag:s3] =	ssyncadd.s32 $0xFFFFC000  }
0x38: {  	[tilespmem:s7], [sflag:$0x2] =	stream.indirect.gather [hbm4b:s4+s5], $0x80, s13, s5, $0xb8;
	[tilespmem:$0x8800] =	vst v63  }
0x39: {  	_ =	swait.ge [sflag:s8], $0x4000  }
0x3a: {  	[sflag:s8] =	ssyncset.done $0x0  }
0x3b: {  	s14 =	rddreg [dreg:$0x8];
	[sflag:s8] =	ssyncadd.s32 $0xFFFFC000  }
0x3c: {  	[hbm4b:s14+s2] =	stream.linear.scatter [tilespmem:s6], [sflag:$0x3], $0x4000, $0x38;
	[tilespmem:$0x8800] =	vst v63  }
0x3d: {  	_ =	swait.ge [sflag:s3], $0x4000  }
0x3e: {  	[sflag:s3] =	ssyncset.done $0x0  }
0x3f: {  	s14 =	simm.s32 $0x300;
	[sflag:s3] =	ssyncadd.s32 $0xFFFFC000  }
0x40: {  	[tilespmem:s6], [sflag:$0x1] =	stream.indirect.gather [hbm4b:s4+s5], $0x80, s14, s5, $0xb8;
	[tilespmem:$0x8800] =	vst v63  }
0x41: {  	_ =	swait.ge [sflag:s10], $0x4000  }
0x42: {  	[sflag:s10] =	ssyncset.done $0x0  }
0x43: {  	s15 =	rddreg [dreg:$0x9];
	[sflag:s10] =	ssyncadd.s32 $0xFFFFC000  }
0x44: {  	[hbm4b:s15+s2] =	stream.linear.scatter [tilespmem:s7], [sflag:$0x3], $0x4000, $0x38;
	[tilespmem:$0x8800] =	vst v63  }
0x45: {  	_ =	swait.ge [sflag:s3], $0x4000  }
0x46: {  	[sflag:s3] =	ssyncset.done $0x0  }
0x47: {  	s15 =	simm.s32 $0x380;
	[sflag:s3] =	ssyncadd.s32 $0xFFFFC000  }
0x48: {  	[tilespmem:s7], [sflag:$0x2] =	stream.indirect.gather [hbm4b:s4+s5], $0x80, s15, s5, $0xb8;
	[tilespmem:$0x8800] =	vst v63  }
0x49: {  	_ =	swait.ge [sflag:s8], $0x4000  }
0x4a: {  	[sflag:s8] =	ssyncset.done $0x0  }
0x4b: {  	s16 =	rddreg [dreg:$0xa];
	[sflag:s8] =	ssyncadd.s32 $0xFFFFC000  }
0x4c: {  	[hbm4b:s16+s2] =	stream.linear.scatter [tilespmem:s6], [sflag:$0x3], $0x4000, $0x38;
	[tilespmem:$0x8800] =	vst v63  }
0x4d: {  	_ =	swait.ge [sflag:s3], $0x4000  }
0x4e: {  	[sflag:s3] =	ssyncset.done $0x0  }
0x4f: {  	s16 =	simm.s32 $0x400;
	[sflag:s3] =	ssyncadd.s32 $0xFFFFC000  }
0x50: {  	[tilespmem:s6], [sflag:$0x1] =	stream.indirect.gather [hbm4b:s4+s5], $0x80, s16, s5, $0xb8;
	[tilespmem:$0x8800] =	vst v63  }
0x51: {  	_ =	swait.ge [sflag:s10], $0x4000  }
0x52: {  	[sflag:s10] =	ssyncset.done $0x0  }
0x53: {  	s17 =	rddreg [dreg:$0xb];
	[sflag:s10] =	ssyncadd.s32 $0xFFFFC000  }
0x54: {  	[hbm4b:s17+s2] =	stream.linear.scatter [tilespmem:s7], [sflag:$0x3], $0x4000, $0x38;
	[tilespmem:$0x8800] =	vst v63  }
0x55: {  	_ =	swait.ge [sflag:s3], $0x4000  }
0x56: {  	[sflag:s3] =	ssyncset.done $0x0  }
0x57: {  	s17 =	simm.s32 $0x480;
	[sflag:s3] =	ssyncadd.s32 $0xFFFFC000  }
0x58: {  	[tilespmem:s7], [sflag:$0x2] =	stream.indirect.gather [hbm4b:s4+s5], $0x80, s17, s5, $0xb8;
	[tilespmem:$0x8800] =	vst v63  }
0x59: {  	_ =	swait.ge [sflag:s8], $0x4000  }
0x5a: {  	[sflag:s8] =	ssyncset.done $0x0  }
0x5b: {  	s18 =	rddreg [dreg:$0xc];
	[sflag:s8] =	ssyncadd.s32 $0xFFFFC000  }
0x5c: {  	[hbm4b:s18+s2] =	stream.linear.scatter [tilespmem:s6], [sflag:$0x3], $0x4000, $0x38;
	[tilespmem:$0x8800] =	vst v63  }
0x5d: {  	_ =	swait.ge [sflag:s3], $0x4000  }
0x5e: {  	[sflag:s3] =	ssyncset.done $0x0  }
0x5f: {  	s18 =	simm.s32 $0x500;
	[sflag:s3] =	ssyncadd.s32 $0xFFFFC000  }
0x60: {  	[tilespmem:s6], [sflag:$0x1] =	stream.indirect.gather [hbm4b:s4+s5], $0x80, s18, s5, $0xb8;
	[tilespmem:$0x8800] =	vst v63  }
0x61: {  	_ =	swait.ge [sflag:s10], $0x4000  }
0x62: {  	[sflag:s10] =	ssyncset.done $0x0  }
0x63: {  	s19 =	sadd.s32 $0x26800, s31;
	[sflag:s10] =	ssyncadd.s32 $0xFFFFC000  }
0x64: {  	[hbm4b:s19+s2] =	stream.linear.scatter [tilespmem:s7], [sflag:$0x3], $0x4000, $0x38;
	[tilespmem:$0x8800] =	vst v63  }
0x65: {  	_ =	swait.ge [sflag:s3], $0x4000  }
0x66: {  	[sflag:s3] =	ssyncset.done $0x0  }
0x67: {  	s20 =	simm.s32 $0x580;
	[sflag:s3] =	ssyncadd.s32 $0xFFFFC000  }
0x68: {  	[tilespmem:s7], [sflag:$0x2] =	stream.indirect.gather [hbm4b:s4+s5], $0x80, s20, s5, $0xb8;
	[tilespmem:$0x8800] =	vst v63  }
0x69: {  	_ =	swait.ge [sflag:s8], $0x4000  }
0x6a: {  	[sflag:s8] =	ssyncset.done $0x0  }
0x6b: {  	s21 =	sadd.s32 $0x27000, s31;
	[sflag:s8] =	ssyncadd.s32 $0xFFFFC000  }
0x6c: {  	[hbm4b:s21+s2] =	stream.linear.scatter [tilespmem:s6], [sflag:$0x3], $0x4000, $0x38;
	[tilespmem:$0x8800] =	vst v63  }
0x6d: {  	_ =	swait.ge [sflag:s3], $0x4000  }
0x6e: {  	[sflag:s3] =	ssyncset.done $0x0  }
0x6f: {  	s22 =	simm.s32 $0x600;
	[sflag:s3] =	ssyncadd.s32 $0xFFFFC000  }
0x70: {  	[tilespmem:s6], [sflag:$0x1] =	stream.indirect.gather [hbm4b:s4+s5], $0x80, s22, s5, $0xb8;
	[tilespmem:$0x8800] =	vst v63  }
0x71: {  	_ =	swait.ge [sflag:s10], $0x4000  }
0x72: {  	[sflag:s10] =	ssyncset.done $0x0  }
0x73: {  	s23 =	sadd.s32 $0x27800, s31;
	[sflag:s10] =	ssyncadd.s32 $0xFFFFC000  }
0x74: {  	[hbm4b:s23+s2] =	stream.linear.scatter [tilespmem:s7], [sflag:$0x3], $0x4000, $0x38;
	[tilespmem:$0x8800] =	vst v63  }
0x75: {  	_ =	swait.ge [sflag:s3], $0x4000  }
0x76: {  	[sflag:s3] =	ssyncset.done $0x0  }
0x77: {  	s24 =	simm.s32 $0x680;
	[sflag:s3] =	ssyncadd.s32 $0xFFFFC000  }
0x78: {  	[tilespmem:s7], [sflag:$0x2] =	stream.indirect.gather [hbm4b:s4+s5], $0x80, s24, s5, $0xb8;
	[tilespmem:$0x8800] =	vst v63  }
0x79: {  	_ =	swait.ge [sflag:s8], $0x4000  }
0x7a: {  	[sflag:s8] =	ssyncset.done $0x0  }
0x7b: {  	s25 =	sadd.s32 $0x28000, s31;
	[sflag:s8] =	ssyncadd.s32 $0xFFFFC000  }
0x7c: {  	[hbm4b:s25+s2] =	stream.linear.scatter [tilespmem:s6], [sflag:$0x3], $0x4000, $0x38;
	[tilespmem:$0x8800] =	vst v63  }
0x7d: {  	_ =	swait.ge [sflag:s3], $0x4000  }
0x7e: {  	[sflag:s3] =	ssyncset.done $0x0  }
0x7f: {  	s26 =	simm.s32 $0x700;
	[sflag:s3] =	ssyncadd.s32 $0xFFFFC000  }
0x80: {  	[tilespmem:s6], [sflag:$0x1] =	stream.indirect.gather [hbm4b:s4+s5], $0x80, s26, s5, $0xb8;
	[tilespmem:$0x8800] =	vst v63  }
0x81: {  	_ =	swait.ge [sflag:s10], $0x4000  }
0x82: {  	[sflag:s10] =	ssyncset.done $0x0  }
0x83: {  	s28 =	sadd.s32 $0x28800, s31;
	[sflag:s10] =	ssyncadd.s32 $0xFFFFC000  }
0x84: {  	[hbm4b:s28+s2] =	stream.linear.scatter [tilespmem:s7], [sflag:$0x3], $0x4000, $0x38;
	[tilespmem:$0x8800] =	vst v63  }
0x85: {  	_ =	swait.ge [sflag:s3], $0x4000  }
0x86: {  	[sflag:s3] =	ssyncset.done $0x0  }
0x87: {  	s29 =	simm.s32 $0x780;
	[sflag:s3] =	ssyncadd.s32 $0xFFFFC000  }
0x88: {  	[tilespmem:s7], [sflag:$0x2] =	stream.indirect.gather [hbm4b:s4+s5], $0x80, s29, s5, $0xb8;
	[tilespmem:$0x8800] =	vst v63  }
0x89: {  	_ =	swait.ge [sflag:s8], $0x4000  }
0x8a: {  	s1 =	ssub.s32 $0x2, s1;
	[sflag:s8] =	ssyncset.done $0x0  }
0x8b: {  	s0 =	sshrl.u32 s1, $0x1;
	s30 =	sadd.s32 $0x29000, s31;
	[sflag:s8] =	ssyncadd.s32 $0xFFFFC000  }
0x8c: {  	[hbm4b:s30+s2] =	stream.linear.scatter [tilespmem:s6], [sflag:$0x3], $0x4000, $0x38;
	[tilespmem:$0x8800] =	vst v63  }
0x8d: {  	s0 =	ssub.s32 s1, s0;
	_ =	swait.ge [sflag:s3], $0x4000  }
0x8e: {  	s0 =	smax.u32 s0, $0x1;
	[sflag:s3] =	ssyncset.done $0x0  }
0x8f: {  	p0 =	sne.s32 s0, $0x1;
	[sflag:s3] =	ssyncadd.s32 $0xFFFFC000  }
.Ltmp0:
0x90: {  	_ =	swait.ge [sflag:s10], $0x4000;
	(pc) =	sbr.rel @!p0 .LBB2_2-.Ltmp0, $4  }
0x91: {  	[sflag:s10] =	ssyncset.done $0x0  }
0x92: {  	s31 =	sadd.s32 $0x29800, s31;
	[sflag:s10] =	ssyncadd.s32 $0xFFFFC000  }
0x93: {  	[hbm4b:s31+s2] =	stream.linear.scatter [tilespmem:s7], [sflag:$0x3], $0x4000, $0x38;
	[tilespmem:$0x8800] =	vst v63  }
0x94: {  	s1 =	sadd.s32 $0xFFFFFFFF, s0;
	_ =	swait.ge [sflag:s3], $0x4000  }
.LBB2_1:
0x95: {  	[sflag:s3] =	ssyncset.done $0x0  }
0x96: {  	s0 =	rddreg [dreg:$0x3];
	[sflag:s3] =	ssyncadd.s32 $0xFFFFC000  }
0x97: {  	[tilespmem:s2], [sflag:$0x3] =	stream.linear.gather [hbm4b:s0+s2], $0x800, $0x38;
	[tilespmem:$0x8800] =	vst v63  }
0x98: {  	_ =	swait.ge [sflag:s3], $0x800  }
0x99: {  	[sflag:s3] =	ssyncset.done $0x0  }
0x9a: {  	[sflag:s3] =	ssyncadd.s32 $0xFFFFF800  }
0x9b: {  	[tilespmem:s6], [sflag:$0x1] =	stream.indirect.gather [hbm4b:s4+s5], $0x80, s2, s5, $0xb8;
	[tilespmem:$0x8800] =	vst v63  }
0x9c: {  	_ = 	snop  }
0x9d: {  	[tilespmem:s7], [sflag:$0x2] =	stream.indirect.gather [hbm4b:s4+s5], $0x80, s5, s5, $0xb8;
	[tilespmem:$0x8800] =	vst v63  }
0x9e: {  	_ =	swait.ge [sflag:s8], $0x4000  }
0x9f: {  	[sflag:s8] =	ssyncset.done $0x0  }
0xa0: {  	s0 =	rddreg [dreg:$0x4];
	[sflag:s8] =	ssyncadd.s32 $0xFFFFC000  }
0xa1: {  	[hbm4b:s0+s2] =	stream.linear.scatter [tilespmem:s6], [sflag:$0x3], $0x4000, $0x38;
	[tilespmem:$0x8800] =	vst v63  }
0xa2: {  	_ =	swait.ge [sflag:s3], $0x4000  }
0xa3: {  	[sflag:s3] =	ssyncset.done $0x0  }
0xa4: {  	[sflag:s3] =	ssyncadd.s32 $0xFFFFC000  }
0xa5: {  	[tilespmem:s6], [sflag:$0x1] =	stream.indirect.gather [hbm4b:s4+s5], $0x80, s9, s5, $0xb8;
	[tilespmem:$0x8800] =	vst v63  }
0xa6: {  	_ =	swait.ge [sflag:s10], $0x4000  }
0xa7: {  	[sflag:s10] =	ssyncset.done $0x0  }
0xa8: {  	s0 =	rddreg [dreg:$0x5];
	[sflag:s10] =	ssyncadd.s32 $0xFFFFC000  }
0xa9: {  	[hbm4b:s0+s2] =	stream.linear.scatter [tilespmem:s7], [sflag:$0x3], $0x4000, $0x38;
	[tilespmem:$0x8800] =	vst v63  }
0xaa: {  	_ =	swait.ge [sflag:s3], $0x4000  }
0xab: {  	[sflag:s3] =	ssyncset.done $0x0  }
0xac: {  	[sflag:s3] =	ssyncadd.s32 $0xFFFFC000  }
0xad: {  	[tilespmem:s7], [sflag:$0x2] =	stream.indirect.gather [hbm4b:s4+s5], $0x80, s11, s5, $0xb8;
	[tilespmem:$0x8800] =	vst v63  }
0xae: {  	_ =	swait.ge [sflag:s8], $0x4000  }
0xaf: {  	[sflag:s8] =	ssyncset.done $0x0  }
0xb0: {  	s0 =	rddreg [dreg:$0x6];
	[sflag:s8] =	ssyncadd.s32 $0xFFFFC000  }
0xb1: {  	[hbm4b:s0+s2] =	stream.linear.scatter [tilespmem:s6], [sflag:$0x3], $0x4000, $0x38;
	[tilespmem:$0x8800] =	vst v63  }
0xb2: {  	_ =	swait.ge [sflag:s3], $0x4000  }
0xb3: {  	[sflag:s3] =	ssyncset.done $0x0  }
0xb4: {  	[sflag:s3] =	ssyncadd.s32 $0xFFFFC000  }
0xb5: {  	[tilespmem:s6], [sflag:$0x1] =	stream.indirect.gather [hbm4b:s4+s5], $0x80, s12, s5, $0xb8;
	[tilespmem:$0x8800] =	vst v63  }
0xb6: {  	_ =	swait.ge [sflag:s10], $0x4000  }
0xb7: {  	[sflag:s10] =	ssyncset.done $0x0  }
0xb8: {  	s0 =	rddreg [dreg:$0x7];
	[sflag:s10] =	ssyncadd.s32 $0xFFFFC000  }
0xb9: {  	[hbm4b:s0+s2] =	stream.linear.scatter [tilespmem:s7], [sflag:$0x3], $0x4000, $0x38;
	[tilespmem:$0x8800] =	vst v63  }
0xba: {  	_ =	swait.ge [sflag:s3], $0x4000  }
0xbb: {  	[sflag:s3] =	ssyncset.done $0x0  }
0xbc: {  	[sflag:s3] =	ssyncadd.s32 $0xFFFFC000  }
0xbd: {  	[tilespmem:s7], [sflag:$0x2] =	stream.indirect.gather [hbm4b:s4+s5], $0x80, s13, s5, $0xb8;
	[tilespmem:$0x8800] =	vst v63  }
0xbe: {  	_ =	swait.ge [sflag:s8], $0x4000  }
0xbf: {  	[sflag:s8] =	ssyncset.done $0x0  }
0xc0: {  	s0 =	rddreg [dreg:$0x8];
	[sflag:s8] =	ssyncadd.s32 $0xFFFFC000  }
0xc1: {  	[hbm4b:s0+s2] =	stream.linear.scatter [tilespmem:s6], [sflag:$0x3], $0x4000, $0x38;
	[tilespmem:$0x8800] =	vst v63  }
0xc2: {  	_ =	swait.ge [sflag:s3], $0x4000  }
0xc3: {  	[sflag:s3] =	ssyncset.done $0x0  }
0xc4: {  	[sflag:s3] =	ssyncadd.s32 $0xFFFFC000  }
0xc5: {  	[tilespmem:s6], [sflag:$0x1] =	stream.indirect.gather [hbm4b:s4+s5], $0x80, s14, s5, $0xb8;
	[tilespmem:$0x8800] =	vst v63  }
0xc6: {  	_ =	swait.ge [sflag:s10], $0x4000  }
0xc7: {  	[sflag:s10] =	ssyncset.done $0x0  }
0xc8: {  	s0 =	rddreg [dreg:$0x9];
	[sflag:s10] =	ssyncadd.s32 $0xFFFFC000  }
0xc9: {  	[hbm4b:s0+s2] =	stream.linear.scatter [tilespmem:s7], [sflag:$0x3], $0x4000, $0x38;
	[tilespmem:$0x8800] =	vst v63  }
0xca: {  	_ =	swait.ge [sflag:s3], $0x4000  }
0xcb: {  	[sflag:s3] =	ssyncset.done $0x0  }
0xcc: {  	[sflag:s3] =	ssyncadd.s32 $0xFFFFC000  }
0xcd: {  	[tilespmem:s7], [sflag:$0x2] =	stream.indirect.gather [hbm4b:s4+s5], $0x80, s15, s5, $0xb8;
	[tilespmem:$0x8800] =	vst v63  }
0xce: {  	_ =	swait.ge [sflag:s8], $0x4000  }
0xcf: {  	[sflag:s8] =	ssyncset.done $0x0  }
0xd0: {  	s0 =	rddreg [dreg:$0xa];
	[sflag:s8] =	ssyncadd.s32 $0xFFFFC000  }
0xd1: {  	[hbm4b:s0+s2] =	stream.linear.scatter [tilespmem:s6], [sflag:$0x3], $0x4000, $0x38;
	[tilespmem:$0x8800] =	vst v63  }
0xd2: {  	_ =	swait.ge [sflag:s3], $0x4000  }
0xd3: {  	[sflag:s3] =	ssyncset.done $0x0  }
0xd4: {  	[sflag:s3] =	ssyncadd.s32 $0xFFFFC000  }
0xd5: {  	[tilespmem:s6], [sflag:$0x1] =	stream.indirect.gather [hbm4b:s4+s5], $0x80, s16, s5, $0xb8;
	[tilespmem:$0x8800] =	vst v63  }
0xd6: {  	_ =	swait.ge [sflag:s10], $0x4000  }
0xd7: {  	[sflag:s10] =	ssyncset.done $0x0  }
0xd8: {  	s0 =	rddreg [dreg:$0xb];
	[sflag:s10] =	ssyncadd.s32 $0xFFFFC000  }
0xd9: {  	[hbm4b:s0+s2] =	stream.linear.scatter [tilespmem:s7], [sflag:$0x3], $0x4000, $0x38;
	[tilespmem:$0x8800] =	vst v63  }
0xda: {  	_ =	swait.ge [sflag:s3], $0x4000  }
0xdb: {  	[sflag:s3] =	ssyncset.done $0x0  }
0xdc: {  	[sflag:s3] =	ssyncadd.s32 $0xFFFFC000  }
0xdd: {  	[tilespmem:s7], [sflag:$0x2] =	stream.indirect.gather [hbm4b:s4+s5], $0x80, s17, s5, $0xb8;
	[tilespmem:$0x8800] =	vst v63  }
0xde: {  	_ =	swait.ge [sflag:s8], $0x4000  }
0xdf: {  	[sflag:s8] =	ssyncset.done $0x0  }
0xe0: {  	s0 =	rddreg [dreg:$0xc];
	[sflag:s8] =	ssyncadd.s32 $0xFFFFC000  }
0xe1: {  	[hbm4b:s0+s2] =	stream.linear.scatter [tilespmem:s6], [sflag:$0x3], $0x4000, $0x38;
	[tilespmem:$0x8800] =	vst v63  }
0xe2: {  	_ =	swait.ge [sflag:s3], $0x4000  }
0xe3: {  	[sflag:s3] =	ssyncset.done $0x0  }
0xe4: {  	[sflag:s3] =	ssyncadd.s32 $0xFFFFC000  }
0xe5: {  	[tilespmem:s6], [sflag:$0x1] =	stream.indirect.gather [hbm4b:s4+s5], $0x80, s18, s5, $0xb8;
	[tilespmem:$0x8800] =	vst v63  }
0xe6: {  	_ =	swait.ge [sflag:s10], $0x4000  }
0xe7: {  	[sflag:s10] =	ssyncset.done $0x0  }
0xe8: {  	[sflag:s10] =	ssyncadd.s32 $0xFFFFC000  }
0xe9: {  	[hbm4b:s19+s2] =	stream.linear.scatter [tilespmem:s7], [sflag:$0x3], $0x4000, $0x38;
	[tilespmem:$0x8800] =	vst v63  }
0xea: {  	_ =	swait.ge [sflag:s3], $0x4000  }
0xeb: {  	[sflag:s3] =	ssyncset.done $0x0  }
0xec: {  	[sflag:s3] =	ssyncadd.s32 $0xFFFFC000  }
0xed: {  	[tilespmem:s7], [sflag:$0x2] =	stream.indirect.gather [hbm4b:s4+s5], $0x80, s20, s5, $0xb8;
	[tilespmem:$0x8800] =	vst v63  }
0xee: {  	_ =	swait.ge [sflag:s8], $0x4000  }
0xef: {  	[sflag:s8] =	ssyncset.done $0x0  }
0xf0: {  	[sflag:s8] =	ssyncadd.s32 $0xFFFFC000  }
0xf1: {  	[hbm4b:s21+s2] =	stream.linear.scatter [tilespmem:s6], [sflag:$0x3], $0x4000, $0x38;
	[tilespmem:$0x8800] =	vst v63  }
0xf2: {  	_ =	swait.ge [sflag:s3], $0x4000  }
0xf3: {  	[sflag:s3] =	ssyncset.done $0x0  }
0xf4: {  	[sflag:s3] =	ssyncadd.s32 $0xFFFFC000  }
0xf5: {  	[tilespmem:s6], [sflag:$0x1] =	stream.indirect.gather [hbm4b:s4+s5], $0x80, s22, s5, $0xb8;
	[tilespmem:$0x8800] =	vst v63  }
0xf6: {  	_ =	swait.ge [sflag:s10], $0x4000  }
0xf7: {  	[sflag:s10] =	ssyncset.done $0x0  }
0xf8: {  	[sflag:s10] =	ssyncadd.s32 $0xFFFFC000  }
0xf9: {  	[hbm4b:s23+s2] =	stream.linear.scatter [tilespmem:s7], [sflag:$0x3], $0x4000, $0x38;
	[tilespmem:$0x8800] =	vst v63  }
0xfa: {  	_ =	swait.ge [sflag:s3], $0x4000  }
0xfb: {  	[sflag:s3] =	ssyncset.done $0x0  }
0xfc: {  	[sflag:s3] =	ssyncadd.s32 $0xFFFFC000  }
0xfd: {  	[tilespmem:s7], [sflag:$0x2] =	stream.indirect.gather [hbm4b:s4+s5], $0x80, s24, s5, $0xb8;
	[tilespmem:$0x8800] =	vst v63  }
0xfe: {  	_ =	swait.ge [sflag:s8], $0x4000  }
0xff: {  	[sflag:s8] =	ssyncset.done $0x0  }
0x100: {  	[sflag:s8] =	ssyncadd.s32 $0xFFFFC000  }
0x101: {  	[hbm4b:s25+s2] =	stream.linear.scatter [tilespmem:s6], [sflag:$0x3], $0x4000, $0x38;
	[tilespmem:$0x8800] =	vst v63  }
0x102: {  	_ =	swait.ge [sflag:s3], $0x4000  }
0x103: {  	[sflag:s3] =	ssyncset.done $0x0  }
0x104: {  	[sflag:s3] =	ssyncadd.s32 $0xFFFFC000  }
0x105: {  	[tilespmem:s6], [sflag:$0x1] =	stream.indirect.gather [hbm4b:s4+s5], $0x80, s26, s5, $0xb8;
	[tilespmem:$0x8800] =	vst v63  }
0x106: {  	_ =	swait.ge [sflag:s10], $0x4000  }
0x107: {  	[sflag:s10] =	ssyncset.done $0x0  }
0x108: {  	[sflag:s10] =	ssyncadd.s32 $0xFFFFC000  }
0x109: {  	[hbm4b:s28+s2] =	stream.linear.scatter [tilespmem:s7], [sflag:$0x3], $0x4000, $0x38;
	[tilespmem:$0x8800] =	vst v63  }
0x10a: {  	_ =	swait.ge [sflag:s3], $0x4000  }
0x10b: {  	[sflag:s3] =	ssyncset.done $0x0  }
0x10c: {  	[sflag:s3] =	ssyncadd.s32 $0xFFFFC000  }
0x10d: {  	[tilespmem:s7], [sflag:$0x2] =	stream.indirect.gather [hbm4b:s4+s5], $0x80, s29, s5, $0xb8;
	[tilespmem:$0x8800] =	vst v63  }
0x10e: {  	_ =	swait.ge [sflag:s8], $0x4000  }
0x10f: {  	[sflag:s8] =	ssyncset.done $0x0  }
0x110: {  	[sflag:s8] =	ssyncadd.s32 $0xFFFFC000  }
0x111: {  	[hbm4b:s30+s2] =	stream.linear.scatter [tilespmem:s6], [sflag:$0x3], $0x4000, $0x38;
	[tilespmem:$0x8800] =	vst v63  }
0x112: {  	_ =	swait.ge [sflag:s3], $0x4000  }
0x113: {  	[sflag:s3] =	ssyncset.done $0x0  }
0x114: {  	p0 =	sne.s32 s1, $0x1;
	[sflag:s3] =	ssyncadd.s32 $0xFFFFC000  }
.Ltmp1:
0x115: {  	_ =	swait.ge [sflag:s10], $0x4000;
	(pc) =	sbr.rel @p0 .LBB2_1-.Ltmp1, $4  }
0x116: {  	[sflag:s10] =	ssyncset.done $0x0  }
0x117: {  	[sflag:s10] =	ssyncadd.s32 $0xFFFFC000  }
0x118: {  	[hbm4b:s31+s2] =	stream.linear.scatter [tilespmem:s7], [sflag:$0x3], $0x4000, $0x38;
	[tilespmem:$0x8800] =	vst v63  }
0x119: {  	s1 =	sadd.s32 $0xFFFFFFFF, s1;
	_ =	swait.ge [sflag:s3], $0x4000  }
.LBB2_2:
0x11a: {  	[sflag:s3] =	ssyncset.done $0x0  }
0x11b: {  	[sflag:s3] =	ssyncadd.s32 $0xFFFFC000  }
0x11c: {  	_ =	sfence.sel $0x180000  }
0x11d: {  	[bflag:$0x0] =	sbarrier.arrive $0xFFFF  }
0x11e: {  	_ =	strace $0x90000047  }
0x11f: {  	s0 =	stileid.u32;
	[bflag:$0x2] =	sbarrier.arrive $0xFFFF  }
0x120: {  	p0 =	sne.s32 s0, $0x0;
	s0 =	rddreg [dreg:$0x2]  }
0x121: {  	s0 =	sadd.s32 @!p0 $0x100000, s0  }
0x122: {  	[sflag:s0] =	ssyncadd.tile.s32 @!p0 $0x1;
	_ =	shalt  }
.Lfunc_end2:
_tile_overlayer_lowered:
.L_overlay_start_2:
0x123: {  	(tag) =	ssettag $0x2  }
0x124: {  	s0 =	rddreg [dreg:$0x0];
	s2 =	stileid.u32  }
0x125: {  	s1 =	rddreg [dreg:$0x1];
	p0 =	sne.s32 s2, $0x0  }
0x126: {  	s3 =	rddreg [dreg:$0x2];
	[bflag:$0x3] =	sbarrier.arrive $0xFFFF;
	s2 =	simm.s32 @!p0 $0x1C03  }
0x127: {  	[timem:s3], [sflag:s2] =	dma.local @!p0 [hbm:s0], s1  }
0x128: {  	s0 =	simm.s32 @!p0 $0x3  }
0x129: {  	_ =	swait.ge @!p0 [sflag:s0], s1  }
0x12a: {  	s1 =	ssub.s32 @!p0 $0x0, s1;
	[sflag:s0] =	ssyncset.done @!p0 $0x0  }
0x12b: {  	[sflag:s0] =	ssyncadd.s32 @!p0 s1  }
0x12c: {  	[bflag:$0x3] =	sbarrier.arrive $0xFFFF  }
0x12d: {  	_ =	shalt  }

</sc_bundles>
